<compile_context>
chip_gen: v7x
topology: tpu7x:2x2x1
jax: 0.10.2.dev20260603
libtpu: 0.0.44.dev20260713+nightly
codegen_flags: <defaults>
</compile_context>

<pallas_src>
import functools

import jax
import jax.numpy as jnp
from jax import lax
from jax.experimental import pallas as pl
from jax.experimental.pallas import tpu as pltpu
from jax.experimental.pallas import tpu_sc as plsc

T = 16384
E = 256
K = 8
NGROUP = 8
GSIZE = E // NGROUP
NC, NS, L = 2, 16, 16
NW = NC * NS
TPW = T // NW
CHUNK = 128
NCHUNK = TPW // CHUNK
NEG_INF = float("-inf")


def _merge_top16(ka, va, kb, vb):
    kr = lax.rev(kb, (0,))
    vr = lax.rev(vb, (0,))
    ge = ka >= kr
    hk = jnp.where(ge, ka, kr)
    hv = jnp.where(ge, va, vr)
    return plsc.sort_key_val(hk, hv, descending=True)


def _routing_body(lf_hbm, bias_hbm, oi_hbm, ov_hbm,
                  lbuf, bias_v, sc_scr, hk_scr, hid_scr, lo_scr,
                  oi_scr, ov_scr):
    wid = lax.axis_index("s") * NC + lax.axis_index("c")
    iota = lax.iota(jnp.int32, L)
    pltpu.sync_copy(bias_hbm, bias_v)
    tok0 = wid * TPW

    @pl.loop(0, NCHUNK)
    def _chunk(ci):
        base_tok = tok0 + ci * CHUNK
        pltpu.sync_copy(lf_hbm.at[pl.ds(base_tok * E, CHUNK * E)], lbuf)

        @pl.loop(0, CHUNK)
        def _tok(t):
            toff = t * E
            gv = jnp.full((L,), NEG_INF, jnp.float32)
            for g in range(NGROUP):
                xa = lbuf[pl.ds(toff + g * GSIZE, L)]
                xb = lbuf[pl.ds(toff + g * GSIZE + L, L)]
                sa = 1.0 / (1.0 + jnp.exp(-xa))
                sb = 1.0 / (1.0 + jnp.exp(-xb))
                sc_scr[pl.ds(g * GSIZE, L)] = sa
                sc_scr[pl.ds(g * GSIZE + L, L)] = sb
                a = sa + bias_v[pl.ds(g * GSIZE, L)]
                b = sb + bias_v[pl.ds(g * GSIZE + L, L)]
                ge = a >= b
                hi = jnp.where(ge, a, b)
                lo = jnp.where(ge, b, a)
                hi_src = jnp.where(ge, g * GSIZE + iota, g * GSIZE + L + iota)
                hk, hid = plsc.sort_key_val(hi, hi_src, descending=True)
                hk_scr[pl.ds(g * L, L)] = hk
                hid_scr[pl.ds(g * L, L)] = hid
                lo_scr[pl.ds(g * L, L)] = lo
                psm = jnp.max(a + b)
                s = jnp.maximum(hk[0] + hk[1], psm)
                gv = jnp.where(iota == g, s, gv)
            _, gid = plsc.sort_key_val(gv, iota, descending=True)
            kept = []
            for r in range(4):
                base = gid[r] * L
                hk_r = hk_scr[pl.ds(base, L)]
                hid_r = hid_scr[pl.ds(base, L)]
                hid_sh = plsc.load_gather(hid_scr, [base + ((iota - 8) & (L - 1))])
                glo_sh = plsc.load_gather(lo_scr, [base + (hid_sh & (L - 1))])
                mlow = iota < 8
                cw = jnp.where(mlow, hk_r, glo_sh)
                cid = jnp.where(mlow, hid_r, hid_sh ^ L)
                kept.append(plsc.sort_key_val(cw, cid, descending=True))
            u0 = _merge_top16(*kept[0], *kept[1])
            u1 = _merge_top16(*kept[2], *kept[3])
            fk, fv = _merge_top16(*u0, *u1)
            mask8 = iota < K
            sgath = plsc.load_gather(sc_scr, [fv])
            s8 = jnp.where(mask8, sgath, 0.0)
            denom = jnp.broadcast_to(jnp.sum(s8) + 1e-20, (L,))
            vals = s8 * 2.5 / denom
            keys = jnp.where(mask8, vals, -1.0)
            ok, oi = plsc.sort_key_val(keys, fv, descending=True)
            plsc.store_compressed(ov_scr.at[pl.ds(t * K, L)], ok, mask=mask8)
            plsc.store_compressed(oi_scr.at[pl.ds(t * K, L)], oi, mask=mask8)

        pltpu.sync_copy(ov_scr.at[pl.ds(0, CHUNK * K)],
                        ov_hbm.at[pl.ds(base_tok * K, CHUNK * K)])
        pltpu.sync_copy(oi_scr.at[pl.ds(0, CHUNK * K)],
                        oi_hbm.at[pl.ds(base_tok * K, CHUNK * K)])


_router = functools.partial(
    pl.kernel,
    out_type=(
        jax.ShapeDtypeStruct((T * K,), jnp.int32),
        jax.ShapeDtypeStruct((T * K,), jnp.float32),
    ),
    mesh=plsc.VectorSubcoreMesh(
        core_axis_name="c", subcore_axis_name="s", num_cores=NC, num_subcores=NS
    ),
    compiler_params=pltpu.CompilerParams(needs_layout_passes=False),
    scratch_types=[
        pltpu.VMEM((CHUNK * E,), jnp.float32),
        pltpu.VMEM((E,), jnp.float32),
        pltpu.VMEM((E,), jnp.float32),
        pltpu.VMEM((NGROUP * L,), jnp.float32),
        pltpu.VMEM((NGROUP * L,), jnp.int32),
        pltpu.VMEM((NGROUP * L,), jnp.float32),
        pltpu.VMEM((CHUNK * K + K,), jnp.int32),
        pltpu.VMEM((CHUNK * K + K,), jnp.float32),
    ],
)(_routing_body)


def kernel(logits, e_score_correction_bias):
    oi, ov = _router(logits.reshape(-1), e_score_correction_bias)
    return oi.reshape(T, K), ov.reshape(T, K)

# --- scband reference (transcript-rebuilt; emitter-appended) ---
"""Pipeline reference for scband-deep-seek-v3-moe-routing-method-66340064854661 (READ-ONLY COPY).

The authoritative reference and input builder live on the scoring server;
editing this copy changes nothing except your own understanding.
"""

import jax, jax.numpy as jnp
import numpy as np

TOP_K = 8
N_GROUP = 8
TOPK_GROUP = 4
ROUTED_SCALING_FACTOR = 2.5
NUM_TOKENS = 16384
NUM_EXPERTS = 256


def setup_inputs(seed: int = 0) -> dict:
    key = jax.random.key(seed)
    k1, k2 = jax.random.split(key)
    logits = jax.random.normal(k1, (NUM_TOKENS, NUM_EXPERTS), dtype=jnp.float32)
    # learned e_score_correction_bias (returned by callable_e_score_correction_bias in torch)
    e_score_correction_bias = jax.random.normal(k2, (NUM_EXPERTS,), dtype=jnp.float32) * 0.01
    return {"logits": logits, "e_score_correction_bias": e_score_correction_bias}


def reference(logits, e_score_correction_bias):
    T, E = logits.shape
    n_group = N_GROUP
    gsize = E // n_group
    # get_scores
    scores = jax.nn.sigmoid(logits)
    scores_with_bias = scores + e_score_correction_bias
    # group scores: sum of top-2 per group
    grouped = scores_with_bias.reshape(T, n_group, gsize)
    top2_vals, _ = jax.lax.top_k(grouped, 2)
    group_scores = jnp.sum(top2_vals, axis=-1)
    # select topk_group groups
    _, group_idx = jax.lax.top_k(group_scores, TOPK_GROUP)
    rows = jnp.arange(T)[:, None]
    group_mask = jnp.zeros_like(group_scores).at[rows, group_idx].set(1.0)
    # expand group mask to expert mask
    score_mask = jnp.repeat(group_mask, gsize, axis=-1)
    neg_inf = jnp.array(float('-inf'), dtype=scores_with_bias.dtype)
    swb_masked = jnp.where(score_mask.astype(bool), scores_with_bias, neg_inf)
    # top_k over masked biased scores -> expert selection
    _, topk_idx = jax.lax.top_k(swb_masked, TOP_K)
    new_mask = jnp.zeros_like(scores).at[rows, topk_idx].set(1.0)
    masked_scores = scores * new_mask
    score_sum = jnp.sum(masked_scores, axis=-1, keepdims=True) + 1e-20
    norm_scores = masked_scores / score_sum * ROUTED_SCALING_FACTOR
    topk_values, topk_indices = jax.lax.top_k(norm_scores, TOP_K)
    return (topk_indices.astype(jnp.int32), topk_values.astype(jnp.float32))

if __name__ == "__main__":
    import jax
    _d = setup_inputs()
    print(jax.jit(kernel)(*tuple(_d.values())))

</pallas_src>

<mosaic_0001>
#map = affine_map<(d0, d1) -> (0)>
module attributes {stable_mosaic.version = 14 : i64} {
  func.func @_routing_body(%arg0: i32, %arg1: i32, %arg2: memref<4194304xf32, #tpu.memory_space<hbm>>, %arg3: memref<256xf32, #tpu.memory_space<hbm>>, %arg4: memref<131072xi32, #tpu.memory_space<hbm>>, %arg5: memref<131072xf32, #tpu.memory_space<hbm>>, %arg6: memref<32768xf32, #tpu.memory_space<vmem>>, %arg7: memref<256xf32, #tpu.memory_space<vmem>>, %arg8: memref<256xf32, #tpu.memory_space<vmem>>, %arg9: memref<128xf32, #tpu.memory_space<vmem>>, %arg10: memref<128xi32, #tpu.memory_space<vmem>>, %arg11: memref<128xf32, #tpu.memory_space<vmem>>, %arg12: memref<1032xi32, #tpu.memory_space<vmem>>, %arg13: memref<1032xf32, #tpu.memory_space<vmem>>) attributes {dimension_semantics = [#tpu.dimension_semantics<core_parallel>, #tpu.dimension_semantics<subcore_parallel>], iteration_bounds = array<i64: 2, 16>, scalar_prefetch = 0 : i64, scratch_operands = 8 : i64, tpu.core_type = #tpu.core_type<sc_vector_subcore>, window_params = [{transform_indices = #map}, {transform_indices = #map}, {transform_indices = #map}, {transform_indices = #map}]} {
    %mul3A = arith.constant 2 : i32
    %mul3A_0 = arith.muli %arg1, %mul3A : i32
    %add3A = arith.addi %mul3A_0, %arg0 : i32
    %iota3A = tpu.iota {dimensions = array<i32: 0>} : vector<16xi32>
    "tpu.region"() ({
      %run_scoped3A = tpu.sem_alloc : memref<!tpu.dma_semaphore, #tpu.memory_space<semaphore_mem>>
      tpu.enqueue_dma source(%arg3 : memref<256xf32, #tpu.memory_space<hbm>>) target(%arg7 : memref<256xf32, #tpu.memory_space<vmem>>) target_semaphore(%run_scoped3A : memref<!tpu.dma_semaphore, #tpu.memory_space<semaphore_mem>>)
      tpu.wait_dma2 semaphore(%run_scoped3A : memref<!tpu.dma_semaphore, #tpu.memory_space<semaphore_mem>>) src(%arg3 : memref<256xf32, #tpu.memory_space<hbm>>) dst(%arg7 : memref<256xf32, #tpu.memory_space<vmem>>)
      tpu.yield
    }) : () -> ()
    %mul3A_1 = arith.constant 512 : i32
    %mul3A_2 = arith.muli %add3A, %mul3A_1 : i32
    %scan3A = arith.constant 0 : i32
    %scan3A_3 = arith.constant 4 : i32
    %scan3A_4 = arith.addi %scan3A, %scan3A_3 : i32
    %scan3A_5 = arith.constant 1 : i32
    scf.for %scan3A_7 = %scan3A to %scan3A_4 step %scan3A_5  : i32 {
      %mul3A_8 = arith.constant 1 : i32
      %mul3A_9 = arith.muli %scan3A_7, %mul3A_8 : i32
      %add3A_10 = arith.constant 0 : i32
      %add3A_11 = arith.addi %add3A_10, %mul3A_9 : i32
      %mul3A_12 = arith.constant 128 : i32
      %mul3A_13 = arith.muli %add3A_11, %mul3A_12 : i32
      %add3A_14 = arith.addi %mul3A_2, %mul3A_13 : i32
      %mul3A_15 = arith.constant 256 : i32
      %mul3A_16 = arith.muli %add3A_14, %mul3A_15 : i32
      "tpu.region"() ({
        %run_scoped3A = tpu.sem_alloc : memref<!tpu.dma_semaphore, #tpu.memory_space<semaphore_mem>>
        %dma_start3A = tpu.memref_slice %arg2[%mul3A_16] : memref<4194304xf32, #tpu.memory_space<hbm>> -> memref<32768xf32, #tpu.memory_space<hbm>>
        %dma_start3A_26 = tpu.memref_slice %arg2[%mul3A_16] : memref<4194304xf32, #tpu.memory_space<hbm>> -> memref<32768xf32, #tpu.memory_space<hbm>>
        tpu.enqueue_dma source(%dma_start3A_26 : memref<32768xf32, #tpu.memory_space<hbm>>) target(%arg6 : memref<32768xf32, #tpu.memory_space<vmem>>) target_semaphore(%run_scoped3A : memref<!tpu.dma_semaphore, #tpu.memory_space<semaphore_mem>>)
        %dma_wait3A = tpu.memref_slice %arg2[%mul3A_16] : memref<4194304xf32, #tpu.memory_space<hbm>> -> memref<32768xf32, #tpu.memory_space<hbm>>
        %dma_wait3A_27 = tpu.memref_slice %arg2[%mul3A_16] : memref<4194304xf32, #tpu.memory_space<hbm>> -> memref<32768xf32, #tpu.memory_space<hbm>>
        tpu.wait_dma2 semaphore(%run_scoped3A : memref<!tpu.dma_semaphore, #tpu.memory_space<semaphore_mem>>) src(%dma_wait3A_27 : memref<32768xf32, #tpu.memory_space<hbm>>) dst(%arg6 : memref<32768xf32, #tpu.memory_space<vmem>>)
        tpu.yield
      }) : () -> ()
      %scan3A_17 = arith.constant 0 : i32
      %scan3A_18 = arith.constant 128 : i32
      %scan3A_19 = arith.addi %scan3A_17, %scan3A_18 : i32
      %scan3A_20 = arith.constant 1 : i32
      scf.for %scan3A_26 = %scan3A_17 to %scan3A_19 step %scan3A_20  : i32 {
        %mul3A_27 = arith.constant 1 : i32
        %mul3A_28 = arith.muli %scan3A_26, %mul3A_27 : i32
        %add3A_29 = arith.constant 0 : i32
        %add3A_30 = arith.addi %add3A_29, %mul3A_28 : i32
        %mul3A_31 = arith.constant 256 : i32
        %mul3A_32 = arith.muli %add3A_30, %mul3A_31 : i32
        %broadcast_in_dim3A = arith.constant 0xFF800000 : f32
        %broadcast_in_dim3A_33 = vector.broadcast %broadcast_in_dim3A : f32 to vector<16xf32>
        %add3A_34 = arith.constant 0 : i32
        %add3A_35 = arith.addi %mul3A_32, %add3A_34 : i32
        %get3A = arith.index_cast %add3A_35 : i32 to index
        %get3A_36 = tpu.vector_load %arg6[%get3A] {strides = array<i32>} : memref<32768xf32, #tpu.memory_space<vmem>>, vector<16xf32>,
        %add3A_37 = arith.constant 0 : i32
        %add3A_38 = arith.addi %mul3A_32, %add3A_37 : i32
        %add3A_39 = arith.constant 16 : i32
        %add3A_40 = arith.addi %add3A_38, %add3A_39 : i32
        %get3A_41 = arith.index_cast %add3A_40 : i32 to index
        %get3A_42 = tpu.vector_load %arg6[%get3A_41] {strides = array<i32>} : memref<32768xf32, #tpu.memory_space<vmem>>, vector<16xf32>,
        %neg3A = arith.constant 0.000000e+00 : f32
        %neg3A_43 = vector.broadcast %neg3A : f32 to vector<16xf32>
        %neg3A_44 = arith.subf %neg3A_43, %get3A_36 : vector<16xf32>
        %exp3A = math.exp %neg3A_44 : vector<16xf32>
        %add3A_45 = arith.constant 1.000000e+00 : f32
        %add3A_46 = vector.broadcast %add3A_45 : f32 to vector<16xf32>
        %add3A_47 = arith.addf %add3A_46, %exp3A : vector<16xf32>
        %div3A = arith.constant 1.000000e+00 : f32
        %div3A_48 = vector.broadcast %div3A : f32 to vector<16xf32>
        %div3A_49 = arith.divf %div3A_48, %add3A_47 : vector<16xf32>
        %neg3A_50 = arith.constant 0.000000e+00 : f32
        %neg3A_51 = vector.broadcast %neg3A_50 : f32 to vector<16xf32>
        %neg3A_52 = arith.subf %neg3A_51, %get3A_42 : vector<16xf32>
        %exp3A_53 = math.exp %neg3A_52 : vector<16xf32>
        %add3A_54 = arith.constant 1.000000e+00 : f32
        %add3A_55 = vector.broadcast %add3A_54 : f32 to vector<16xf32>
        %add3A_56 = arith.addf %add3A_55, %exp3A_53 : vector<16xf32>
        %div3A_57 = arith.constant 1.000000e+00 : f32
        %div3A_58 = vector.broadcast %div3A_57 : f32 to vector<16xf32>
        %div3A_59 = arith.divf %div3A_58, %add3A_56 : vector<16xf32>
        %swap3A = arith.constant 0 : index
        %swap3A_60 = tpu.vector_load %arg8[%swap3A] {strides = array<i32>} : memref<256xf32, #tpu.memory_space<vmem>>, vector<16xf32>,
        tpu.vector_store %arg8[%swap3A], %div3A_49 {strides = array<i32>} : memref<256xf32, #tpu.memory_space<vmem>>, vector<16xf32>,
        %swap3A_61 = arith.constant 16 : index
        %swap3A_62 = tpu.vector_load %arg8[%swap3A_61] {strides = array<i32>} : memref<256xf32, #tpu.memory_space<vmem>>, vector<16xf32>,
        tpu.vector_store %arg8[%swap3A_61], %div3A_59 {strides = array<i32>} : memref<256xf32, #tpu.memory_space<vmem>>, vector<16xf32>,
        %get3A_63 = arith.constant 0 : index
        %get3A_64 = tpu.vector_load %arg7[%get3A_63] {strides = array<i32>} : memref<256xf32, #tpu.memory_space<vmem>>, vector<16xf32>,
        %add3A_65 = arith.addf %div3A_49, %get3A_64 : vector<16xf32>
        %get3A_66 = arith.constant 16 : index
        %get3A_67 = tpu.vector_load %arg7[%get3A_66] {strides = array<i32>} : memref<256xf32, #tpu.memory_space<vmem>>, vector<16xf32>,
        %add3A_68 = arith.addf %div3A_59, %get3A_67 : vector<16xf32>
        %ge3A = arith.cmpf oge, %add3A_65, %add3A_68 : vector<16xf32>
        %select_n3A = arith.select %ge3A, %add3A_65, %add3A_68 : vector<16xi1>, vector<16xf32>
        %select_n3A_69 = arith.select %ge3A, %add3A_68, %add3A_65 : vector<16xi1>, vector<16xf32>
        %add3A_70 = arith.constant 0 : i32
        %add3A_71 = vector.broadcast %add3A_70 : i32 to vector<16xi32>
        %add3A_72 = arith.addi %add3A_71, %iota3A : vector<16xi32>
        %add3A_73 = arith.constant 16 : i32
        %add3A_74 = vector.broadcast %add3A_73 : i32 to vector<16xi32>
        %add3A_75 = arith.addi %add3A_74, %iota3A : vector<16xi32>
        %select_n3A_76 = arith.select %ge3A, %add3A_72, %add3A_75 : vector<16xi1>, vector<16xi32>
        %masked_sort3A = arith.constant dense<true> : vector<16xi1>
        %masked_sort3A_77, %masked_sort3A_78, %masked_sort3A_79 = tpu.sort %select_n3A, %select_n3A_76 masked %masked_sort3A {descending = true} : (vector<16xf32>, vector<16xi32>, vector<16xi1>) -> (vector<16xi1>, vector<16xf32>, vector<16xi32>)
        %swap3A_80 = arith.constant 0 : index
        %swap3A_81 = tpu.vector_load %arg9[%swap3A_80] {strides = array<i32>} : memref<128xf32, #tpu.memory_space<vmem>>, vector<16xf32>,
        tpu.vector_store %arg9[%swap3A_80], %masked_sort3A_78 {strides = array<i32>} : memref<128xf32, #tpu.memory_space<vmem>>, vector<16xf32>,
        %swap3A_82 = arith.constant 0 : index
        %swap3A_83 = tpu.vector_load %arg10[%swap3A_82] {strides = array<i32>} : memref<128xi32, #tpu.memory_space<vmem>>, vector<16xi32>,
        tpu.vector_store %arg10[%swap3A_82], %masked_sort3A_79 {strides = array<i32>} : memref<128xi32, #tpu.memory_space<vmem>>, vector<16xi32>,
        %swap3A_84 = arith.constant 0 : index
        %swap3A_85 = tpu.vector_load %arg11[%swap3A_84] {strides = array<i32>} : memref<128xf32, #tpu.memory_space<vmem>>, vector<16xf32>,
        tpu.vector_store %arg11[%swap3A_84], %select_n3A_69 {strides = array<i32>} : memref<128xf32, #tpu.memory_space<vmem>>, vector<16xf32>,
        %add3A_86 = arith.addf %add3A_65, %add3A_68 : vector<16xf32>
        %reduce_max3A = arith.constant true
        %reduce_max3A_87 = vector.broadcast %reduce_max3A : i1 to vector<16xi1>
        %reduce_max3A_88 = tpu.scan <max>, %add3A_86 masked %reduce_max3A_87 : vector<16xf32>, vector<16xi1> -> vector<16xf32>
        %reduce_max3A_89 = vector.extract %reduce_max3A_88[15] : f32 from vector<16xf32>
        %slice3A = vector.extract_strided_slice %masked_sort3A_78 {offsets = [0], sizes = [1], strides = [1]} : vector<16xf32> to vector<1xf32>
        %squeeze3A = vector.extract %slice3A[0] : f32 from vector<1xf32>
        %slice3A_90 = vector.extract_strided_slice %masked_sort3A_78 {offsets = [1], sizes = [1], strides = [1]} : vector<16xf32> to vector<1xf32>
        %squeeze3A_91 = vector.extract %slice3A_90[0] : f32 from vector<1xf32>
        %add3A_92 = arith.addf %squeeze3A, %squeeze3A_91 : f32
        %max3A = arith.maximumf %add3A_92, %reduce_max3A_89 : f32
        %eq3A = arith.constant 0 : i32
        %eq3A_93 = vector.broadcast %eq3A : i32 to vector<16xi32>
        %eq3A_94 = arith.cmpi eq, %iota3A, %eq3A_93 : vector<16xi32>
        %broadcast_in_dim3A_95 = vector.broadcast %max3A : f32 to vector<16xf32>
        %select_n3A_96 = arith.select %eq3A_94, %broadcast_in_dim3A_95, %broadcast_in_dim3A_33 : vector<16xi1>, vector<16xf32>
        %add3A_97 = arith.constant 32 : i32
        %add3A_98 = arith.addi %mul3A_32, %add3A_97 : i32
        %get3A_99 = arith.index_cast %add3A_98 : i32 to index
        %get3A_100 = tpu.vector_load %arg6[%get3A_99] {strides = array<i32>} : memref<32768xf32, #tpu.memory_space<vmem>>, vector<16xf32>,
        %add3A_101 = arith.constant 32 : i32
        %add3A_102 = arith.addi %mul3A_32, %add3A_101 : i32
        %add3A_103 = arith.constant 16 : i32
        %add3A_104 = arith.addi %add3A_102, %add3A_103 : i32
        %get3A_105 = arith.index_cast %add3A_104 : i32 to index
        %get3A_106 = tpu.vector_load %arg6[%get3A_105] {strides = array<i32>} : memref<32768xf32, #tpu.memory_space<vmem>>, vector<16xf32>,
        %neg3A_107 = arith.constant 0.000000e+00 : f32
        %neg3A_108 = vector.broadcast %neg3A_107 : f32 to vector<16xf32>
        %neg3A_109 = arith.subf %neg3A_108, %get3A_100 : vector<16xf32>
        %exp3A_110 = math.exp %neg3A_109 : vector<16xf32>
        %add3A_111 = arith.constant 1.000000e+00 : f32
        %add3A_112 = vector.broadcast %add3A_111 : f32 to vector<16xf32>
        %add3A_113 = arith.addf %add3A_112, %exp3A_110 : vector<16xf32>
        %div3A_114 = arith.constant 1.000000e+00 : f32
        %div3A_115 = vector.broadcast %div3A_114 : f32 to vector<16xf32>
        %div3A_116 = arith.divf %div3A_115, %add3A_113 : vector<16xf32>
        %neg3A_117 = arith.constant 0.000000e+00 : f32
        %neg3A_118 = vector.broadcast %neg3A_117 : f32 to vector<16xf32>
        %neg3A_119 = arith.subf %neg3A_118, %get3A_106 : vector<16xf32>
        %exp3A_120 = math.exp %neg3A_119 : vector<16xf32>
        %add3A_121 = arith.constant 1.000000e+00 : f32
        %add3A_122 = vector.broadcast %add3A_121 : f32 to vector<16xf32>
        %add3A_123 = arith.addf %add3A_122, %exp3A_120 : vector<16xf32>
        %div3A_124 = arith.constant 1.000000e+00 : f32
        %div3A_125 = vector.broadcast %div3A_124 : f32 to vector<16xf32>
        %div3A_126 = arith.divf %div3A_125, %add3A_123 : vector<16xf32>
        %swap3A_127 = arith.constant 32 : index
        %swap3A_128 = tpu.vector_load %arg8[%swap3A_127] {strides = array<i32>} : memref<256xf32, #tpu.memory_space<vmem>>, vector<16xf32>,
        tpu.vector_store %arg8[%swap3A_127], %div3A_116 {strides = array<i32>} : memref<256xf32, #tpu.memory_space<vmem>>, vector<16xf32>,
        %swap3A_129 = arith.constant 48 : index
        %swap3A_130 = tpu.vector_load %arg8[%swap3A_129] {strides = array<i32>} : memref<256xf32, #tpu.memory_space<vmem>>, vector<16xf32>,
        tpu.vector_store %arg8[%swap3A_129], %div3A_126 {strides = array<i32>} : memref<256xf32, #tpu.memory_space<vmem>>, vector<16xf32>,
        %get3A_131 = arith.constant 32 : index
        %get3A_132 = tpu.vector_load %arg7[%get3A_131] {strides = array<i32>} : memref<256xf32, #tpu.memory_space<vmem>>, vector<16xf32>,
        %add3A_133 = arith.addf %div3A_116, %get3A_132 : vector<16xf32>
        %get3A_134 = arith.constant 48 : index
        %get3A_135 = tpu.vector_load %arg7[%get3A_134] {strides = array<i32>} : memref<256xf32, #tpu.memory_space<vmem>>, vector<16xf32>,
        %add3A_136 = arith.addf %div3A_126, %get3A_135 : vector<16xf32>
        %ge3A_137 = arith.cmpf oge, %add3A_133, %add3A_136 : vector<16xf32>
        %select_n3A_138 = arith.select %ge3A_137, %add3A_133, %add3A_136 : vector<16xi1>, vector<16xf32>
        %select_n3A_139 = arith.select %ge3A_137, %add3A_136, %add3A_133 : vector<16xi1>, vector<16xf32>
        %add3A_140 = arith.constant 32 : i32
        %add3A_141 = vector.broadcast %add3A_140 : i32 to vector<16xi32>
        %add3A_142 = arith.addi %add3A_141, %iota3A : vector<16xi32>
        %add3A_143 = arith.constant 48 : i32
        %add3A_144 = vector.broadcast %add3A_143 : i32 to vector<16xi32>
        %add3A_145 = arith.addi %add3A_144, %iota3A : vector<16xi32>
        %select_n3A_146 = arith.select %ge3A_137, %add3A_142, %add3A_145 : vector<16xi1>, vector<16xi32>
        %masked_sort3A_147 = arith.constant dense<true> : vector<16xi1>
        %masked_sort3A_148, %masked_sort3A_149, %masked_sort3A_150 = tpu.sort %select_n3A_138, %select_n3A_146 masked %masked_sort3A_147 {descending = true} : (vector<16xf32>, vector<16xi32>, vector<16xi1>) -> (vector<16xi1>, vector<16xf32>, vector<16xi32>)
        %swap3A_151 = arith.constant 16 : index
        %swap3A_152 = tpu.vector_load %arg9[%swap3A_151] {strides = array<i32>} : memref<128xf32, #tpu.memory_space<vmem>>, vector<16xf32>,
        tpu.vector_store %arg9[%swap3A_151], %masked_sort3A_149 {strides = array<i32>} : memref<128xf32, #tpu.memory_space<vmem>>, vector<16xf32>,
        %swap3A_153 = arith.constant 16 : index
        %swap3A_154 = tpu.vector_load %arg10[%swap3A_153] {strides = array<i32>} : memref<128xi32, #tpu.memory_space<vmem>>, vector<16xi32>,
        tpu.vector_store %arg10[%swap3A_153], %masked_sort3A_150 {strides = array<i32>} : memref<128xi32, #tpu.memory_space<vmem>>, vector<16xi32>,
        %swap3A_155 = arith.constant 16 : index
        %swap3A_156 = tpu.vector_load %arg11[%swap3A_155] {strides = array<i32>} : memref<128xf32, #tpu.memory_space<vmem>>, vector<16xf32>,
        tpu.vector_store %arg11[%swap3A_155], %select_n3A_139 {strides = array<i32>} : memref<128xf32, #tpu.memory_space<vmem>>, vector<16xf32>,
        %add3A_157 = arith.addf %add3A_133, %add3A_136 : vector<16xf32>
        %reduce_max3A_158 = arith.constant true
        %reduce_max3A_159 = vector.broadcast %reduce_max3A_158 : i1 to vector<16xi1>
        %reduce_max3A_160 = tpu.scan <max>, %add3A_157 masked %reduce_max3A_159 : vector<16xf32>, vector<16xi1> -> vector<16xf32>
        %reduce_max3A_161 = vector.extract %reduce_max3A_160[15] : f32 from vector<16xf32>
        %slice3A_162 = vector.extract_strided_slice %masked_sort3A_149 {offsets = [0], sizes = [1], strides = [1]} : vector<16xf32> to vector<1xf32>
        %squeeze3A_163 = vector.extract %slice3A_162[0] : f32 from vector<1xf32>
        %slice3A_164 = vector.extract_strided_slice %masked_sort3A_149 {offsets = [1], sizes = [1], strides = [1]} : vector<16xf32> to vector<1xf32>
        %squeeze3A_165 = vector.extract %slice3A_164[0] : f32 from vector<1xf32>
        %add3A_166 = arith.addf %squeeze3A_163, %squeeze3A_165 : f32
        %max3A_167 = arith.maximumf %add3A_166, %reduce_max3A_161 : f32
        %eq3A_168 = arith.constant 1 : i32
        %eq3A_169 = vector.broadcast %eq3A_168 : i32 to vector<16xi32>
        %eq3A_170 = arith.cmpi eq, %iota3A, %eq3A_169 : vector<16xi32>
        %broadcast_in_dim3A_171 = vector.broadcast %max3A_167 : f32 to vector<16xf32>
        %select_n3A_172 = arith.select %eq3A_170, %broadcast_in_dim3A_171, %select_n3A_96 : vector<16xi1>, vector<16xf32>
        %add3A_173 = arith.constant 64 : i32
        %add3A_174 = arith.addi %mul3A_32, %add3A_173 : i32
        %get3A_175 = arith.index_cast %add3A_174 : i32 to index
        %get3A_176 = tpu.vector_load %arg6[%get3A_175] {strides = array<i32>} : memref<32768xf32, #tpu.memory_space<vmem>>, vector<16xf32>,
        %add3A_177 = arith.constant 64 : i32
        %add3A_178 = arith.addi %mul3A_32, %add3A_177 : i32
        %add3A_179 = arith.constant 16 : i32
        %add3A_180 = arith.addi %add3A_178, %add3A_179 : i32
        %get3A_181 = arith.index_cast %add3A_180 : i32 to index
        %get3A_182 = tpu.vector_load %arg6[%get3A_181] {strides = array<i32>} : memref<32768xf32, #tpu.memory_space<vmem>>, vector<16xf32>,
        %neg3A_183 = arith.constant 0.000000e+00 : f32
        %neg3A_184 = vector.broadcast %neg3A_183 : f32 to vector<16xf32>
        %neg3A_185 = arith.subf %neg3A_184, %get3A_176 : vector<16xf32>
        %exp3A_186 = math.exp %neg3A_185 : vector<16xf32>
        %add3A_187 = arith.constant 1.000000e+00 : f32
        %add3A_188 = vector.broadcast %add3A_187 : f32 to vector<16xf32>
        %add3A_189 = arith.addf %add3A_188, %exp3A_186 : vector<16xf32>
        %div3A_190 = arith.constant 1.000000e+00 : f32
        %div3A_191 = vector.broadcast %div3A_190 : f32 to vector<16xf32>
        %div3A_192 = arith.divf %div3A_191, %add3A_189 : vector<16xf32>
        %neg3A_193 = arith.constant 0.000000e+00 : f32
        %neg3A_194 = vector.broadcast %neg3A_193 : f32 to vector<16xf32>
        %neg3A_195 = arith.subf %neg3A_194, %get3A_182 : vector<16xf32>
        %exp3A_196 = math.exp %neg3A_195 : vector<16xf32>
        %add3A_197 = arith.constant 1.000000e+00 : f32
        %add3A_198 = vector.broadcast %add3A_197 : f32 to vector<16xf32>
        %add3A_199 = arith.addf %add3A_198, %exp3A_196 : vector<16xf32>
        %div3A_200 = arith.constant 1.000000e+00 : f32
        %div3A_201 = vector.broadcast %div3A_200 : f32 to vector<16xf32>
        %div3A_202 = arith.divf %div3A_201, %add3A_199 : vector<16xf32>
        %swap3A_203 = arith.constant 64 : index
        %swap3A_204 = tpu.vector_load %arg8[%swap3A_203] {strides = array<i32>} : memref<256xf32, #tpu.memory_space<vmem>>, vector<16xf32>,
        tpu.vector_store %arg8[%swap3A_203], %div3A_192 {strides = array<i32>} : memref<256xf32, #tpu.memory_space<vmem>>, vector<16xf32>,
        %swap3A_205 = arith.constant 80 : index
        %swap3A_206 = tpu.vector_load %arg8[%swap3A_205] {strides = array<i32>} : memref<256xf32, #tpu.memory_space<vmem>>, vector<16xf32>,
        tpu.vector_store %arg8[%swap3A_205], %div3A_202 {strides = array<i32>} : memref<256xf32, #tpu.memory_space<vmem>>, vector<16xf32>,
        %get3A_207 = arith.constant 64 : index
        %get3A_208 = tpu.vector_load %arg7[%get3A_207] {strides = array<i32>} : memref<256xf32, #tpu.memory_space<vmem>>, vector<16xf32>,
        %add3A_209 = arith.addf %div3A_192, %get3A_208 : vector<16xf32>
        %get3A_210 = arith.constant 80 : index
        %get3A_211 = tpu.vector_load %arg7[%get3A_210] {strides = array<i32>} : memref<256xf32, #tpu.memory_space<vmem>>, vector<16xf32>,
        %add3A_212 = arith.addf %div3A_202, %get3A_211 : vector<16xf32>
        %ge3A_213 = arith.cmpf oge, %add3A_209, %add3A_212 : vector<16xf32>
        %select_n3A_214 = arith.select %ge3A_213, %add3A_209, %add3A_212 : vector<16xi1>, vector<16xf32>
        %select_n3A_215 = arith.select %ge3A_213, %add3A_212, %add3A_209 : vector<16xi1>, vector<16xf32>
        %add3A_216 = arith.constant 64 : i32
        %add3A_217 = vector.broadcast %add3A_216 : i32 to vector<16xi32>
        %add3A_218 = arith.addi %add3A_217, %iota3A : vector<16xi32>
        %add3A_219 = arith.constant 80 : i32
        %add3A_220 = vector.broadcast %add3A_219 : i32 to vector<16xi32>
        %add3A_221 = arith.addi %add3A_220, %iota3A : vector<16xi32>
        %select_n3A_222 = arith.select %ge3A_213, %add3A_218, %add3A_221 : vector<16xi1>, vector<16xi32>
        %masked_sort3A_223 = arith.constant dense<true> : vector<16xi1>
        %masked_sort3A_224, %masked_sort3A_225, %masked_sort3A_226 = tpu.sort %select_n3A_214, %select_n3A_222 masked %masked_sort3A_223 {descending = true} : (vector<16xf32>, vector<16xi32>, vector<16xi1>) -> (vector<16xi1>, vector<16xf32>, vector<16xi32>)
        %swap3A_227 = arith.constant 32 : index
        %swap3A_228 = tpu.vector_load %arg9[%swap3A_227] {strides = array<i32>} : memref<128xf32, #tpu.memory_space<vmem>>, vector<16xf32>,
        tpu.vector_store %arg9[%swap3A_227], %masked_sort3A_225 {strides = array<i32>} : memref<128xf32, #tpu.memory_space<vmem>>, vector<16xf32>,
        %swap3A_229 = arith.constant 32 : index
        %swap3A_230 = tpu.vector_load %arg10[%swap3A_229] {strides = array<i32>} : memref<128xi32, #tpu.memory_space<vmem>>, vector<16xi32>,
        tpu.vector_store %arg10[%swap3A_229], %masked_sort3A_226 {strides = array<i32>} : memref<128xi32, #tpu.memory_space<vmem>>, vector<16xi32>,
        %swap3A_231 = arith.constant 32 : index
        %swap3A_232 = tpu.vector_load %arg11[%swap3A_231] {strides = array<i32>} : memref<128xf32, #tpu.memory_space<vmem>>, vector<16xf32>,
        tpu.vector_store %arg11[%swap3A_231], %select_n3A_215 {strides = array<i32>} : memref<128xf32, #tpu.memory_space<vmem>>, vector<16xf32>,
        %add3A_233 = arith.addf %add3A_209, %add3A_212 : vector<16xf32>
        %reduce_max3A_234 = arith.constant true
        %reduce_max3A_235 = vector.broadcast %reduce_max3A_234 : i1 to vector<16xi1>
        %reduce_max3A_236 = tpu.scan <max>, %add3A_233 masked %reduce_max3A_235 : vector<16xf32>, vector<16xi1> -> vector<16xf32>
        %reduce_max3A_237 = vector.extract %reduce_max3A_236[15] : f32 from vector<16xf32>
        %slice3A_238 = vector.extract_strided_slice %masked_sort3A_225 {offsets = [0], sizes = [1], strides = [1]} : vector<16xf32> to vector<1xf32>
        %squeeze3A_239 = vector.extract %slice3A_238[0] : f32 from vector<1xf32>
        %slice3A_240 = vector.extract_strided_slice %masked_sort3A_225 {offsets = [1], sizes = [1], strides = [1]} : vector<16xf32> to vector<1xf32>
        %squeeze3A_241 = vector.extract %slice3A_240[0] : f32 from vector<1xf32>
        %add3A_242 = arith.addf %squeeze3A_239, %squeeze3A_241 : f32
        %max3A_243 = arith.maximumf %add3A_242, %reduce_max3A_237 : f32
        %eq3A_244 = arith.constant 2 : i32
        %eq3A_245 = vector.broadcast %eq3A_244 : i32 to vector<16xi32>
        %eq3A_246 = arith.cmpi eq, %iota3A, %eq3A_245 : vector<16xi32>
        %broadcast_in_dim3A_247 = vector.broadcast %max3A_243 : f32 to vector<16xf32>
        %select_n3A_248 = arith.select %eq3A_246, %broadcast_in_dim3A_247, %select_n3A_172 : vector<16xi1>, vector<16xf32>
        %add3A_249 = arith.constant 96 : i32
        %add3A_250 = arith.addi %mul3A_32, %add3A_249 : i32
        %get3A_251 = arith.index_cast %add3A_250 : i32 to index
        %get3A_252 = tpu.vector_load %arg6[%get3A_251] {strides = array<i32>} : memref<32768xf32, #tpu.memory_space<vmem>>, vector<16xf32>,
        %add3A_253 = arith.constant 96 : i32
        %add3A_254 = arith.addi %mul3A_32, %add3A_253 : i32
        %add3A_255 = arith.constant 16 : i32
        %add3A_256 = arith.addi %add3A_254, %add3A_255 : i32
        %get3A_257 = arith.index_cast %add3A_256 : i32 to index
        %get3A_258 = tpu.vector_load %arg6[%get3A_257] {strides = array<i32>} : memref<32768xf32, #tpu.memory_space<vmem>>, vector<16xf32>,
        %neg3A_259 = arith.constant 0.000000e+00 : f32
        %neg3A_260 = vector.broadcast %neg3A_259 : f32 to vector<16xf32>
        %neg3A_261 = arith.subf %neg3A_260, %get3A_252 : vector<16xf32>
        %exp3A_262 = math.exp %neg3A_261 : vector<16xf32>
        %add3A_263 = arith.constant 1.000000e+00 : f32
        %add3A_264 = vector.broadcast %add3A_263 : f32 to vector<16xf32>
        %add3A_265 = arith.addf %add3A_264, %exp3A_262 : vector<16xf32>
        %div3A_266 = arith.constant 1.000000e+00 : f32
        %div3A_267 = vector.broadcast %div3A_266 : f32 to vector<16xf32>
        %div3A_268 = arith.divf %div3A_267, %add3A_265 : vector<16xf32>
        %neg3A_269 = arith.constant 0.000000e+00 : f32
        %neg3A_270 = vector.broadcast %neg3A_269 : f32 to vector<16xf32>
        %neg3A_271 = arith.subf %neg3A_270, %get3A_258 : vector<16xf32>
        %exp3A_272 = math.exp %neg3A_271 : vector<16xf32>
        %add3A_273 = arith.constant 1.000000e+00 : f32
        %add3A_274 = vector.broadcast %add3A_273 : f32 to vector<16xf32>
        %add3A_275 = arith.addf %add3A_274, %exp3A_272 : vector<16xf32>
        %div3A_276 = arith.constant 1.000000e+00 : f32
        %div3A_277 = vector.broadcast %div3A_276 : f32 to vector<16xf32>
        %div3A_278 = arith.divf %div3A_277, %add3A_275 : vector<16xf32>
        %swap3A_279 = arith.constant 96 : index
        %swap3A_280 = tpu.vector_load %arg8[%swap3A_279] {strides = array<i32>} : memref<256xf32, #tpu.memory_space<vmem>>, vector<16xf32>,
        tpu.vector_store %arg8[%swap3A_279], %div3A_268 {strides = array<i32>} : memref<256xf32, #tpu.memory_space<vmem>>, vector<16xf32>,
        %swap3A_281 = arith.constant 112 : index
        %swap3A_282 = tpu.vector_load %arg8[%swap3A_281] {strides = array<i32>} : memref<256xf32, #tpu.memory_space<vmem>>, vector<16xf32>,
        tpu.vector_store %arg8[%swap3A_281], %div3A_278 {strides = array<i32>} : memref<256xf32, #tpu.memory_space<vmem>>, vector<16xf32>,
        %get3A_283 = arith.constant 96 : index
        %get3A_284 = tpu.vector_load %arg7[%get3A_283] {strides = array<i32>} : memref<256xf32, #tpu.memory_space<vmem>>, vector<16xf32>,
        %add3A_285 = arith.addf %div3A_268, %get3A_284 : vector<16xf32>
        %get3A_286 = arith.constant 112 : index
        %get3A_287 = tpu.vector_load %arg7[%get3A_286] {strides = array<i32>} : memref<256xf32, #tpu.memory_space<vmem>>, vector<16xf32>,
        %add3A_288 = arith.addf %div3A_278, %get3A_287 : vector<16xf32>
        %ge3A_289 = arith.cmpf oge, %add3A_285, %add3A_288 : vector<16xf32>
        %select_n3A_290 = arith.select %ge3A_289, %add3A_285, %add3A_288 : vector<16xi1>, vector<16xf32>
        %select_n3A_291 = arith.select %ge3A_289, %add3A_288, %add3A_285 : vector<16xi1>, vector<16xf32>
        %add3A_292 = arith.constant 96 : i32
        %add3A_293 = vector.broadcast %add3A_292 : i32 to vector<16xi32>
        %add3A_294 = arith.addi %add3A_293, %iota3A : vector<16xi32>
        %add3A_295 = arith.constant 112 : i32
        %add3A_296 = vector.broadcast %add3A_295 : i32 to vector<16xi32>
        %add3A_297 = arith.addi %add3A_296, %iota3A : vector<16xi32>
        %select_n3A_298 = arith.select %ge3A_289, %add3A_294, %add3A_297 : vector<16xi1>, vector<16xi32>
        %masked_sort3A_299 = arith.constant dense<true> : vector<16xi1>
        %masked_sort3A_300, %masked_sort3A_301, %masked_sort3A_302 = tpu.sort %select_n3A_290, %select_n3A_298 masked %masked_sort3A_299 {descending = true} : (vector<16xf32>, vector<16xi32>, vector<16xi1>) -> (vector<16xi1>, vector<16xf32>, vector<16xi32>)
        %swap3A_303 = arith.constant 48 : index
        %swap3A_304 = tpu.vector_load %arg9[%swap3A_303] {strides = array<i32>} : memref<128xf32, #tpu.memory_space<vmem>>, vector<16xf32>,
        tpu.vector_store %arg9[%swap3A_303], %masked_sort3A_301 {strides = array<i32>} : memref<128xf32, #tpu.memory_space<vmem>>, vector<16xf32>,
        %swap3A_305 = arith.constant 48 : index
        %swap3A_306 = tpu.vector_load %arg10[%swap3A_305] {strides = array<i32>} : memref<128xi32, #tpu.memory_space<vmem>>, vector<16xi32>,
        tpu.vector_store %arg10[%swap3A_305], %masked_sort3A_302 {strides = array<i32>} : memref<128xi32, #tpu.memory_space<vmem>>, vector<16xi32>,
        %swap3A_307 = arith.constant 48 : index
        %swap3A_308 = tpu.vector_load %arg11[%swap3A_307] {strides = array<i32>} : memref<128xf32, #tpu.memory_space<vmem>>, vector<16xf32>,
        tpu.vector_store %arg11[%swap3A_307], %select_n3A_291 {strides = array<i32>} : memref<128xf32, #tpu.memory_space<vmem>>, vector<16xf32>,
        %add3A_309 = arith.addf %add3A_285, %add3A_288 : vector<16xf32>
        %reduce_max3A_310 = arith.constant true
        %reduce_max3A_311 = vector.broadcast %reduce_max3A_310 : i1 to vector<16xi1>
        %reduce_max3A_312 = tpu.scan <max>, %add3A_309 masked %reduce_max3A_311 : vector<16xf32>, vector<16xi1> -> vector<16xf32>
        %reduce_max3A_313 = vector.extract %reduce_max3A_312[15] : f32 from vector<16xf32>
        %slice3A_314 = vector.extract_strided_slice %masked_sort3A_301 {offsets = [0], sizes = [1], strides = [1]} : vector<16xf32> to vector<1xf32>
        %squeeze3A_315 = vector.extract %slice3A_314[0] : f32 from vector<1xf32>
        %slice3A_316 = vector.extract_strided_slice %masked_sort3A_301 {offsets = [1], sizes = [1], strides = [1]} : vector<16xf32> to vector<1xf32>
        %squeeze3A_317 = vector.extract %slice3A_316[0] : f32 from vector<1xf32>
        %add3A_318 = arith.addf %squeeze3A_315, %squeeze3A_317 : f32
        %max3A_319 = arith.maximumf %add3A_318, %reduce_max3A_313 : f32
        %eq3A_320 = arith.constant 3 : i32
        %eq3A_321 = vector.broadcast %eq3A_320 : i32 to vector<16xi32>
        %eq3A_322 = arith.cmpi eq, %iota3A, %eq3A_321 : vector<16xi32>
        %broadcast_in_dim3A_323 = vector.broadcast %max3A_319 : f32 to vector<16xf32>
        %select_n3A_324 = arith.select %eq3A_322, %broadcast_in_dim3A_323, %select_n3A_248 : vector<16xi1>, vector<16xf32>
        %add3A_325 = arith.constant 128 : i32
        %add3A_326 = arith.addi %mul3A_32, %add3A_325 : i32
        %get3A_327 = arith.index_cast %add3A_326 : i32 to index
        %get3A_328 = tpu.vector_load %arg6[%get3A_327] {strides = array<i32>} : memref<32768xf32, #tpu.memory_space<vmem>>, vector<16xf32>,
        %add3A_329 = arith.constant 128 : i32
        %add3A_330 = arith.addi %mul3A_32, %add3A_329 : i32
        %add3A_331 = arith.constant 16 : i32
        %add3A_332 = arith.addi %add3A_330, %add3A_331 : i32
        %get3A_333 = arith.index_cast %add3A_332 : i32 to index
        %get3A_334 = tpu.vector_load %arg6[%get3A_333] {strides = array<i32>} : memref<32768xf32, #tpu.memory_space<vmem>>, vector<16xf32>,
        %neg3A_335 = arith.constant 0.000000e+00 : f32
        %neg3A_336 = vector.broadcast %neg3A_335 : f32 to vector<16xf32>
        %neg3A_337 = arith.subf %neg3A_336, %get3A_328 : vector<16xf32>
        %exp3A_338 = math.exp %neg3A_337 : vector<16xf32>
        %add3A_339 = arith.constant 1.000000e+00 : f32
        %add3A_340 = vector.broadcast %add3A_339 : f32 to vector<16xf32>
        %add3A_341 = arith.addf %add3A_340, %exp3A_338 : vector<16xf32>
        %div3A_342 = arith.constant 1.000000e+00 : f32
        %div3A_343 = vector.broadcast %div3A_342 : f32 to vector<16xf32>
        %div3A_344 = arith.divf %div3A_343, %add3A_341 : vector<16xf32>
        %neg3A_345 = arith.constant 0.000000e+00 : f32
        %neg3A_346 = vector.broadcast %neg3A_345 : f32 to vector<16xf32>
        %neg3A_347 = arith.subf %neg3A_346, %get3A_334 : vector<16xf32>
        %exp3A_348 = math.exp %neg3A_347 : vector<16xf32>
        %add3A_349 = arith.constant 1.000000e+00 : f32
        %add3A_350 = vector.broadcast %add3A_349 : f32 to vector<16xf32>
        %add3A_351 = arith.addf %add3A_350, %exp3A_348 : vector<16xf32>
        %div3A_352 = arith.constant 1.000000e+00 : f32
        %div3A_353 = vector.broadcast %div3A_352 : f32 to vector<16xf32>
        %div3A_354 = arith.divf %div3A_353, %add3A_351 : vector<16xf32>
        %swap3A_355 = arith.constant 128 : index
        %swap3A_356 = tpu.vector_load %arg8[%swap3A_355] {strides = array<i32>} : memref<256xf32, #tpu.memory_space<vmem>>, vector<16xf32>,
        tpu.vector_store %arg8[%swap3A_355], %div3A_344 {strides = array<i32>} : memref<256xf32, #tpu.memory_space<vmem>>, vector<16xf32>,
        %swap3A_357 = arith.constant 144 : index
        %swap3A_358 = tpu.vector_load %arg8[%swap3A_357] {strides = array<i32>} : memref<256xf32, #tpu.memory_space<vmem>>, vector<16xf32>,
        tpu.vector_store %arg8[%swap3A_357], %div3A_354 {strides = array<i32>} : memref<256xf32, #tpu.memory_space<vmem>>, vector<16xf32>,
        %get3A_359 = arith.constant 128 : index
        %get3A_360 = tpu.vector_load %arg7[%get3A_359] {strides = array<i32>} : memref<256xf32, #tpu.memory_space<vmem>>, vector<16xf32>,
        %add3A_361 = arith.addf %div3A_344, %get3A_360 : vector<16xf32>
        %get3A_362 = arith.constant 144 : index
        %get3A_363 = tpu.vector_load %arg7[%get3A_362] {strides = array<i32>} : memref<256xf32, #tpu.memory_space<vmem>>, vector<16xf32>,
        %add3A_364 = arith.addf %div3A_354, %get3A_363 : vector<16xf32>
        %ge3A_365 = arith.cmpf oge, %add3A_361, %add3A_364 : vector<16xf32>
        %select_n3A_366 = arith.select %ge3A_365, %add3A_361, %add3A_364 : vector<16xi1>, vector<16xf32>
        %select_n3A_367 = arith.select %ge3A_365, %add3A_364, %add3A_361 : vector<16xi1>, vector<16xf32>
        %add3A_368 = arith.constant 128 : i32
        %add3A_369 = vector.broadcast %add3A_368 : i32 to vector<16xi32>
        %add3A_370 = arith.addi %add3A_369, %iota3A : vector<16xi32>
        %add3A_371 = arith.constant 144 : i32
        %add3A_372 = vector.broadcast %add3A_371 : i32 to vector<16xi32>
        %add3A_373 = arith.addi %add3A_372, %iota3A : vector<16xi32>
        %select_n3A_374 = arith.select %ge3A_365, %add3A_370, %add3A_373 : vector<16xi1>, vector<16xi32>
        %masked_sort3A_375 = arith.constant dense<true> : vector<16xi1>
        %masked_sort3A_376, %masked_sort3A_377, %masked_sort3A_378 = tpu.sort %select_n3A_366, %select_n3A_374 masked %masked_sort3A_375 {descending = true} : (vector<16xf32>, vector<16xi32>, vector<16xi1>) -> (vector<16xi1>, vector<16xf32>, vector<16xi32>)
        %swap3A_379 = arith.constant 64 : index
        %swap3A_380 = tpu.vector_load %arg9[%swap3A_379] {strides = array<i32>} : memref<128xf32, #tpu.memory_space<vmem>>, vector<16xf32>,
        tpu.vector_store %arg9[%swap3A_379], %masked_sort3A_377 {strides = array<i32>} : memref<128xf32, #tpu.memory_space<vmem>>, vector<16xf32>,
        %swap3A_381 = arith.constant 64 : index
        %swap3A_382 = tpu.vector_load %arg10[%swap3A_381] {strides = array<i32>} : memref<128xi32, #tpu.memory_space<vmem>>, vector<16xi32>,
        tpu.vector_store %arg10[%swap3A_381], %masked_sort3A_378 {strides = array<i32>} : memref<128xi32, #tpu.memory_space<vmem>>, vector<16xi32>,
        %swap3A_383 = arith.constant 64 : index
        %swap3A_384 = tpu.vector_load %arg11[%swap3A_383] {strides = array<i32>} : memref<128xf32, #tpu.memory_space<vmem>>, vector<16xf32>,
        tpu.vector_store %arg11[%swap3A_383], %select_n3A_367 {strides = array<i32>} : memref<128xf32, #tpu.memory_space<vmem>>, vector<16xf32>,
        %add3A_385 = arith.addf %add3A_361, %add3A_364 : vector<16xf32>
        %reduce_max3A_386 = arith.constant true
        %reduce_max3A_387 = vector.broadcast %reduce_max3A_386 : i1 to vector<16xi1>
        %reduce_max3A_388 = tpu.scan <max>, %add3A_385 masked %reduce_max3A_387 : vector<16xf32>, vector<16xi1> -> vector<16xf32>
        %reduce_max3A_389 = vector.extract %reduce_max3A_388[15] : f32 from vector<16xf32>
        %slice3A_390 = vector.extract_strided_slice %masked_sort3A_377 {offsets = [0], sizes = [1], strides = [1]} : vector<16xf32> to vector<1xf32>
        %squeeze3A_391 = vector.extract %slice3A_390[0] : f32 from vector<1xf32>
        %slice3A_392 = vector.extract_strided_slice %masked_sort3A_377 {offsets = [1], sizes = [1], strides = [1]} : vector<16xf32> to vector<1xf32>
        %squeeze3A_393 = vector.extract %slice3A_392[0] : f32 from vector<1xf32>
        %add3A_394 = arith.addf %squeeze3A_391, %squeeze3A_393 : f32
        %max3A_395 = arith.maximumf %add3A_394, %reduce_max3A_389 : f32
        %eq3A_396 = arith.constant 4 : i32
        %eq3A_397 = vector.broadcast %eq3A_396 : i32 to vector<16xi32>
        %eq3A_398 = arith.cmpi eq, %iota3A, %eq3A_397 : vector<16xi32>
        %broadcast_in_dim3A_399 = vector.broadcast %max3A_395 : f32 to vector<16xf32>
        %select_n3A_400 = arith.select %eq3A_398, %broadcast_in_dim3A_399, %select_n3A_324 : vector<16xi1>, vector<16xf32>
        %add3A_401 = arith.constant 160 : i32
        %add3A_402 = arith.addi %mul3A_32, %add3A_401 : i32
        %get3A_403 = arith.index_cast %add3A_402 : i32 to index
        %get3A_404 = tpu.vector_load %arg6[%get3A_403] {strides = array<i32>} : memref<32768xf32, #tpu.memory_space<vmem>>, vector<16xf32>,
        %add3A_405 = arith.constant 160 : i32
        %add3A_406 = arith.addi %mul3A_32, %add3A_405 : i32
        %add3A_407 = arith.constant 16 : i32
        %add3A_408 = arith.addi %add3A_406, %add3A_407 : i32
        %get3A_409 = arith.index_cast %add3A_408 : i32 to index
        %get3A_410 = tpu.vector_load %arg6[%get3A_409] {strides = array<i32>} : memref<32768xf32, #tpu.memory_space<vmem>>, vector<16xf32>,
        %neg3A_411 = arith.constant 0.000000e+00 : f32
        %neg3A_412 = vector.broadcast %neg3A_411 : f32 to vector<16xf32>
        %neg3A_413 = arith.subf %neg3A_412, %get3A_404 : vector<16xf32>
        %exp3A_414 = math.exp %neg3A_413 : vector<16xf32>
        %add3A_415 = arith.constant 1.000000e+00 : f32
        %add3A_416 = vector.broadcast %add3A_415 : f32 to vector<16xf32>
        %add3A_417 = arith.addf %add3A_416, %exp3A_414 : vector<16xf32>
        %div3A_418 = arith.constant 1.000000e+00 : f32
        %div3A_419 = vector.broadcast %div3A_418 : f32 to vector<16xf32>
        %div3A_420 = arith.divf %div3A_419, %add3A_417 : vector<16xf32>
        %neg3A_421 = arith.constant 0.000000e+00 : f32
        %neg3A_422 = vector.broadcast %neg3A_421 : f32 to vector<16xf32>
        %neg3A_423 = arith.subf %neg3A_422, %get3A_410 : vector<16xf32>
        %exp3A_424 = math.exp %neg3A_423 : vector<16xf32>
        %add3A_425 = arith.constant 1.000000e+00 : f32
        %add3A_426 = vector.broadcast %add3A_425 : f32 to vector<16xf32>
        %add3A_427 = arith.addf %add3A_426, %exp3A_424 : vector<16xf32>
        %div3A_428 = arith.constant 1.000000e+00 : f32
        %div3A_429 = vector.broadcast %div3A_428 : f32 to vector<16xf32>
        %div3A_430 = arith.divf %div3A_429, %add3A_427 : vector<16xf32>
        %swap3A_431 = arith.constant 160 : index
        %swap3A_432 = tpu.vector_load %arg8[%swap3A_431] {strides = array<i32>} : memref<256xf32, #tpu.memory_space<vmem>>, vector<16xf32>,
        tpu.vector_store %arg8[%swap3A_431], %div3A_420 {strides = array<i32>} : memref<256xf32, #tpu.memory_space<vmem>>, vector<16xf32>,
        %swap3A_433 = arith.constant 176 : index
        %swap3A_434 = tpu.vector_load %arg8[%swap3A_433] {strides = array<i32>} : memref<256xf32, #tpu.memory_space<vmem>>, vector<16xf32>,
        tpu.vector_store %arg8[%swap3A_433], %div3A_430 {strides = array<i32>} : memref<256xf32, #tpu.memory_space<vmem>>, vector<16xf32>,
        %get3A_435 = arith.constant 160 : index
        %get3A_436 = tpu.vector_load %arg7[%get3A_435] {strides = array<i32>} : memref<256xf32, #tpu.memory_space<vmem>>, vector<16xf32>,
        %add3A_437 = arith.addf %div3A_420, %get3A_436 : vector<16xf32>
        %get3A_438 = arith.constant 176 : index
        %get3A_439 = tpu.vector_load %arg7[%get3A_438] {strides = array<i32>} : memref<256xf32, #tpu.memory_space<vmem>>, vector<16xf32>,
        %add3A_440 = arith.addf %div3A_430, %get3A_439 : vector<16xf32>
        %ge3A_441 = arith.cmpf oge, %add3A_437, %add3A_440 : vector<16xf32>
        %select_n3A_442 = arith.select %ge3A_441, %add3A_437, %add3A_440 : vector<16xi1>, vector<16xf32>
        %select_n3A_443 = arith.select %ge3A_441, %add3A_440, %add3A_437 : vector<16xi1>, vector<16xf32>
        %add3A_444 = arith.constant 160 : i32
        %add3A_445 = vector.broadcast %add3A_444 : i32 to vector<16xi32>
        %add3A_446 = arith.addi %add3A_445, %iota3A : vector<16xi32>
        %add3A_447 = arith.constant 176 : i32
        %add3A_448 = vector.broadcast %add3A_447 : i32 to vector<16xi32>
        %add3A_449 = arith.addi %add3A_448, %iota3A : vector<16xi32>
        %select_n3A_450 = arith.select %ge3A_441, %add3A_446, %add3A_449 : vector<16xi1>, vector<16xi32>
        %masked_sort3A_451 = arith.constant dense<true> : vector<16xi1>
        %masked_sort3A_452, %masked_sort3A_453, %masked_sort3A_454 = tpu.sort %select_n3A_442, %select_n3A_450 masked %masked_sort3A_451 {descending = true} : (vector<16xf32>, vector<16xi32>, vector<16xi1>) -> (vector<16xi1>, vector<16xf32>, vector<16xi32>)
        %swap3A_455 = arith.constant 80 : index
        %swap3A_456 = tpu.vector_load %arg9[%swap3A_455] {strides = array<i32>} : memref<128xf32, #tpu.memory_space<vmem>>, vector<16xf32>,
        tpu.vector_store %arg9[%swap3A_455], %masked_sort3A_453 {strides = array<i32>} : memref<128xf32, #tpu.memory_space<vmem>>, vector<16xf32>,
        %swap3A_457 = arith.constant 80 : index
        %swap3A_458 = tpu.vector_load %arg10[%swap3A_457] {strides = array<i32>} : memref<128xi32, #tpu.memory_space<vmem>>, vector<16xi32>,
        tpu.vector_store %arg10[%swap3A_457], %masked_sort3A_454 {strides = array<i32>} : memref<128xi32, #tpu.memory_space<vmem>>, vector<16xi32>,
        %swap3A_459 = arith.constant 80 : index
        %swap3A_460 = tpu.vector_load %arg11[%swap3A_459] {strides = array<i32>} : memref<128xf32, #tpu.memory_space<vmem>>, vector<16xf32>,
        tpu.vector_store %arg11[%swap3A_459], %select_n3A_443 {strides = array<i32>} : memref<128xf32, #tpu.memory_space<vmem>>, vector<16xf32>,
        %add3A_461 = arith.addf %add3A_437, %add3A_440 : vector<16xf32>
        %reduce_max3A_462 = arith.constant true
        %reduce_max3A_463 = vector.broadcast %reduce_max3A_462 : i1 to vector<16xi1>
        %reduce_max3A_464 = tpu.scan <max>, %add3A_461 masked %reduce_max3A_463 : vector<16xf32>, vector<16xi1> -> vector<16xf32>
        %reduce_max3A_465 = vector.extract %reduce_max3A_464[15] : f32 from vector<16xf32>
        %slice3A_466 = vector.extract_strided_slice %masked_sort3A_453 {offsets = [0], sizes = [1], strides = [1]} : vector<16xf32> to vector<1xf32>
        %squeeze3A_467 = vector.extract %slice3A_466[0] : f32 from vector<1xf32>
        %slice3A_468 = vector.extract_strided_slice %masked_sort3A_453 {offsets = [1], sizes = [1], strides = [1]} : vector<16xf32> to vector<1xf32>
        %squeeze3A_469 = vector.extract %slice3A_468[0] : f32 from vector<1xf32>
        %add3A_470 = arith.addf %squeeze3A_467, %squeeze3A_469 : f32
        %max3A_471 = arith.maximumf %add3A_470, %reduce_max3A_465 : f32
        %eq3A_472 = arith.constant 5 : i32
        %eq3A_473 = vector.broadcast %eq3A_472 : i32 to vector<16xi32>
        %eq3A_474 = arith.cmpi eq, %iota3A, %eq3A_473 : vector<16xi32>
        %broadcast_in_dim3A_475 = vector.broadcast %max3A_471 : f32 to vector<16xf32>
        %select_n3A_476 = arith.select %eq3A_474, %broadcast_in_dim3A_475, %select_n3A_400 : vector<16xi1>, vector<16xf32>
        %add3A_477 = arith.constant 192 : i32
        %add3A_478 = arith.addi %mul3A_32, %add3A_477 : i32
        %get3A_479 = arith.index_cast %add3A_478 : i32 to index
        %get3A_480 = tpu.vector_load %arg6[%get3A_479] {strides = array<i32>} : memref<32768xf32, #tpu.memory_space<vmem>>, vector<16xf32>,
        %add3A_481 = arith.constant 192 : i32
        %add3A_482 = arith.addi %mul3A_32, %add3A_481 : i32
        %add3A_483 = arith.constant 16 : i32
        %add3A_484 = arith.addi %add3A_482, %add3A_483 : i32
        %get3A_485 = arith.index_cast %add3A_484 : i32 to index
        %get3A_486 = tpu.vector_load %arg6[%get3A_485] {strides = array<i32>} : memref<32768xf32, #tpu.memory_space<vmem>>, vector<16xf32>,
        %neg3A_487 = arith.constant 0.000000e+00 : f32
        %neg3A_488 = vector.broadcast %neg3A_487 : f32 to vector<16xf32>
        %neg3A_489 = arith.subf %neg3A_488, %get3A_480 : vector<16xf32>
        %exp3A_490 = math.exp %neg3A_489 : vector<16xf32>
        %add3A_491 = arith.constant 1.000000e+00 : f32
        %add3A_492 = vector.broadcast %add3A_491 : f32 to vector<16xf32>
        %add3A_493 = arith.addf %add3A_492, %exp3A_490 : vector<16xf32>
        %div3A_494 = arith.constant 1.000000e+00 : f32
        %div3A_495 = vector.broadcast %div3A_494 : f32 to vector<16xf32>
        %div3A_496 = arith.divf %div3A_495, %add3A_493 : vector<16xf32>
        %neg3A_497 = arith.constant 0.000000e+00 : f32
        %neg3A_498 = vector.broadcast %neg3A_497 : f32 to vector<16xf32>
        %neg3A_499 = arith.subf %neg3A_498, %get3A_486 : vector<16xf32>
        %exp3A_500 = math.exp %neg3A_499 : vector<16xf32>
        %add3A_501 = arith.constant 1.000000e+00 : f32
        %add3A_502 = vector.broadcast %add3A_501 : f32 to vector<16xf32>
        %add3A_503 = arith.addf %add3A_502, %exp3A_500 : vector<16xf32>
        %div3A_504 = arith.constant 1.000000e+00 : f32
        %div3A_505 = vector.broadcast %div3A_504 : f32 to vector<16xf32>
        %div3A_506 = arith.divf %div3A_505, %add3A_503 : vector<16xf32>
        %swap3A_507 = arith.constant 192 : index
        %swap3A_508 = tpu.vector_load %arg8[%swap3A_507] {strides = array<i32>} : memref<256xf32, #tpu.memory_space<vmem>>, vector<16xf32>,
        tpu.vector_store %arg8[%swap3A_507], %div3A_496 {strides = array<i32>} : memref<256xf32, #tpu.memory_space<vmem>>, vector<16xf32>,
        %swap3A_509 = arith.constant 208 : index
        %swap3A_510 = tpu.vector_load %arg8[%swap3A_509] {strides = array<i32>} : memref<256xf32, #tpu.memory_space<vmem>>, vector<16xf32>,
        tpu.vector_store %arg8[%swap3A_509], %div3A_506 {strides = array<i32>} : memref<256xf32, #tpu.memory_space<vmem>>, vector<16xf32>,
        %get3A_511 = arith.constant 192 : index
        %get3A_512 = tpu.vector_load %arg7[%get3A_511] {strides = array<i32>} : memref<256xf32, #tpu.memory_space<vmem>>, vector<16xf32>,
        %add3A_513 = arith.addf %div3A_496, %get3A_512 : vector<16xf32>
        %get3A_514 = arith.constant 208 : index
        %get3A_515 = tpu.vector_load %arg7[%get3A_514] {strides = array<i32>} : memref<256xf32, #tpu.memory_space<vmem>>, vector<16xf32>,
        %add3A_516 = arith.addf %div3A_506, %get3A_515 : vector<16xf32>
        %ge3A_517 = arith.cmpf oge, %add3A_513, %add3A_516 : vector<16xf32>
        %select_n3A_518 = arith.select %ge3A_517, %add3A_513, %add3A_516 : vector<16xi1>, vector<16xf32>
        %select_n3A_519 = arith.select %ge3A_517, %add3A_516, %add3A_513 : vector<16xi1>, vector<16xf32>
        %add3A_520 = arith.constant 192 : i32
        %add3A_521 = vector.broadcast %add3A_520 : i32 to vector<16xi32>
        %add3A_522 = arith.addi %add3A_521, %iota3A : vector<16xi32>
        %add3A_523 = arith.constant 208 : i32
        %add3A_524 = vector.broadcast %add3A_523 : i32 to vector<16xi32>
        %add3A_525 = arith.addi %add3A_524, %iota3A : vector<16xi32>
        %select_n3A_526 = arith.select %ge3A_517, %add3A_522, %add3A_525 : vector<16xi1>, vector<16xi32>
        %masked_sort3A_527 = arith.constant dense<true> : vector<16xi1>
        %masked_sort3A_528, %masked_sort3A_529, %masked_sort3A_530 = tpu.sort %select_n3A_518, %select_n3A_526 masked %masked_sort3A_527 {descending = true} : (vector<16xf32>, vector<16xi32>, vector<16xi1>) -> (vector<16xi1>, vector<16xf32>, vector<16xi32>)
        %swap3A_531 = arith.constant 96 : index
        %swap3A_532 = tpu.vector_load %arg9[%swap3A_531] {strides = array<i32>} : memref<128xf32, #tpu.memory_space<vmem>>, vector<16xf32>,
        tpu.vector_store %arg9[%swap3A_531], %masked_sort3A_529 {strides = array<i32>} : memref<128xf32, #tpu.memory_space<vmem>>, vector<16xf32>,
        %swap3A_533 = arith.constant 96 : index
        %swap3A_534 = tpu.vector_load %arg10[%swap3A_533] {strides = array<i32>} : memref<128xi32, #tpu.memory_space<vmem>>, vector<16xi32>,
        tpu.vector_store %arg10[%swap3A_533], %masked_sort3A_530 {strides = array<i32>} : memref<128xi32, #tpu.memory_space<vmem>>, vector<16xi32>,
        %swap3A_535 = arith.constant 96 : index
        %swap3A_536 = tpu.vector_load %arg11[%swap3A_535] {strides = array<i32>} : memref<128xf32, #tpu.memory_space<vmem>>, vector<16xf32>,
        tpu.vector_store %arg11[%swap3A_535], %select_n3A_519 {strides = array<i32>} : memref<128xf32, #tpu.memory_space<vmem>>, vector<16xf32>,
        %add3A_537 = arith.addf %add3A_513, %add3A_516 : vector<16xf32>
        %reduce_max3A_538 = arith.constant true
        %reduce_max3A_539 = vector.broadcast %reduce_max3A_538 : i1 to vector<16xi1>
        %reduce_max3A_540 = tpu.scan <max>, %add3A_537 masked %reduce_max3A_539 : vector<16xf32>, vector<16xi1> -> vector<16xf32>
        %reduce_max3A_541 = vector.extract %reduce_max3A_540[15] : f32 from vector<16xf32>
        %slice3A_542 = vector.extract_strided_slice %masked_sort3A_529 {offsets = [0], sizes = [1], strides = [1]} : vector<16xf32> to vector<1xf32>
        %squeeze3A_543 = vector.extract %slice3A_542[0] : f32 from vector<1xf32>
        %slice3A_544 = vector.extract_strided_slice %masked_sort3A_529 {offsets = [1], sizes = [1], strides = [1]} : vector<16xf32> to vector<1xf32>
        %squeeze3A_545 = vector.extract %slice3A_544[0] : f32 from vector<1xf32>
        %add3A_546 = arith.addf %squeeze3A_543, %squeeze3A_545 : f32
        %max3A_547 = arith.maximumf %add3A_546, %reduce_max3A_541 : f32
        %eq3A_548 = arith.constant 6 : i32
        %eq3A_549 = vector.broadcast %eq3A_548 : i32 to vector<16xi32>
        %eq3A_550 = arith.cmpi eq, %iota3A, %eq3A_549 : vector<16xi32>
        %broadcast_in_dim3A_551 = vector.broadcast %max3A_547 : f32 to vector<16xf32>
        %select_n3A_552 = arith.select %eq3A_550, %broadcast_in_dim3A_551, %select_n3A_476 : vector<16xi1>, vector<16xf32>
        %add3A_553 = arith.constant 224 : i32
        %add3A_554 = arith.addi %mul3A_32, %add3A_553 : i32
        %get3A_555 = arith.index_cast %add3A_554 : i32 to index
        %get3A_556 = tpu.vector_load %arg6[%get3A_555] {strides = array<i32>} : memref<32768xf32, #tpu.memory_space<vmem>>, vector<16xf32>,
        %add3A_557 = arith.constant 224 : i32
        %add3A_558 = arith.addi %mul3A_32, %add3A_557 : i32
        %add3A_559 = arith.constant 16 : i32
        %add3A_560 = arith.addi %add3A_558, %add3A_559 : i32
        %get3A_561 = arith.index_cast %add3A_560 : i32 to index
        %get3A_562 = tpu.vector_load %arg6[%get3A_561] {strides = array<i32>} : memref<32768xf32, #tpu.memory_space<vmem>>, vector<16xf32>,
        %neg3A_563 = arith.constant 0.000000e+00 : f32
        %neg3A_564 = vector.broadcast %neg3A_563 : f32 to vector<16xf32>
        %neg3A_565 = arith.subf %neg3A_564, %get3A_556 : vector<16xf32>
        %exp3A_566 = math.exp %neg3A_565 : vector<16xf32>
        %add3A_567 = arith.constant 1.000000e+00 : f32
        %add3A_568 = vector.broadcast %add3A_567 : f32 to vector<16xf32>
        %add3A_569 = arith.addf %add3A_568, %exp3A_566 : vector<16xf32>
        %div3A_570 = arith.constant 1.000000e+00 : f32
        %div3A_571 = vector.broadcast %div3A_570 : f32 to vector<16xf32>
        %div3A_572 = arith.divf %div3A_571, %add3A_569 : vector<16xf32>
        %neg3A_573 = arith.constant 0.000000e+00 : f32
        %neg3A_574 = vector.broadcast %neg3A_573 : f32 to vector<16xf32>
        %neg3A_575 = arith.subf %neg3A_574, %get3A_562 : vector<16xf32>
        %exp3A_576 = math.exp %neg3A_575 : vector<16xf32>
        %add3A_577 = arith.constant 1.000000e+00 : f32
        %add3A_578 = vector.broadcast %add3A_577 : f32 to vector<16xf32>
        %add3A_579 = arith.addf %add3A_578, %exp3A_576 : vector<16xf32>
        %div3A_580 = arith.constant 1.000000e+00 : f32
        %div3A_581 = vector.broadcast %div3A_580 : f32 to vector<16xf32>
        %div3A_582 = arith.divf %div3A_581, %add3A_579 : vector<16xf32>
        %swap3A_583 = arith.constant 224 : index
        %swap3A_584 = tpu.vector_load %arg8[%swap3A_583] {strides = array<i32>} : memref<256xf32, #tpu.memory_space<vmem>>, vector<16xf32>,
        tpu.vector_store %arg8[%swap3A_583], %div3A_572 {strides = array<i32>} : memref<256xf32, #tpu.memory_space<vmem>>, vector<16xf32>,
        %swap3A_585 = arith.constant 240 : index
        %swap3A_586 = tpu.vector_load %arg8[%swap3A_585] {strides = array<i32>} : memref<256xf32, #tpu.memory_space<vmem>>, vector<16xf32>,
        tpu.vector_store %arg8[%swap3A_585], %div3A_582 {strides = array<i32>} : memref<256xf32, #tpu.memory_space<vmem>>, vector<16xf32>,
        %get3A_587 = arith.constant 224 : index
        %get3A_588 = tpu.vector_load %arg7[%get3A_587] {strides = array<i32>} : memref<256xf32, #tpu.memory_space<vmem>>, vector<16xf32>,
        %add3A_589 = arith.addf %div3A_572, %get3A_588 : vector<16xf32>
        %get3A_590 = arith.constant 240 : index
        %get3A_591 = tpu.vector_load %arg7[%get3A_590] {strides = array<i32>} : memref<256xf32, #tpu.memory_space<vmem>>, vector<16xf32>,
        %add3A_592 = arith.addf %div3A_582, %get3A_591 : vector<16xf32>
        %ge3A_593 = arith.cmpf oge, %add3A_589, %add3A_592 : vector<16xf32>
        %select_n3A_594 = arith.select %ge3A_593, %add3A_589, %add3A_592 : vector<16xi1>, vector<16xf32>
        %select_n3A_595 = arith.select %ge3A_593, %add3A_592, %add3A_589 : vector<16xi1>, vector<16xf32>
        %add3A_596 = arith.constant 224 : i32
        %add3A_597 = vector.broadcast %add3A_596 : i32 to vector<16xi32>
        %add3A_598 = arith.addi %add3A_597, %iota3A : vector<16xi32>
        %add3A_599 = arith.constant 240 : i32
        %add3A_600 = vector.broadcast %add3A_599 : i32 to vector<16xi32>
        %add3A_601 = arith.addi %add3A_600, %iota3A : vector<16xi32>
        %select_n3A_602 = arith.select %ge3A_593, %add3A_598, %add3A_601 : vector<16xi1>, vector<16xi32>
        %masked_sort3A_603 = arith.constant dense<true> : vector<16xi1>
        %masked_sort3A_604, %masked_sort3A_605, %masked_sort3A_606 = tpu.sort %select_n3A_594, %select_n3A_602 masked %masked_sort3A_603 {descending = true} : (vector<16xf32>, vector<16xi32>, vector<16xi1>) -> (vector<16xi1>, vector<16xf32>, vector<16xi32>)
        %swap3A_607 = arith.constant 112 : index
        %swap3A_608 = tpu.vector_load %arg9[%swap3A_607] {strides = array<i32>} : memref<128xf32, #tpu.memory_space<vmem>>, vector<16xf32>,
        tpu.vector_store %arg9[%swap3A_607], %masked_sort3A_605 {strides = array<i32>} : memref<128xf32, #tpu.memory_space<vmem>>, vector<16xf32>,
        %swap3A_609 = arith.constant 112 : index
        %swap3A_610 = tpu.vector_load %arg10[%swap3A_609] {strides = array<i32>} : memref<128xi32, #tpu.memory_space<vmem>>, vector<16xi32>,
        tpu.vector_store %arg10[%swap3A_609], %masked_sort3A_606 {strides = array<i32>} : memref<128xi32, #tpu.memory_space<vmem>>, vector<16xi32>,
        %swap3A_611 = arith.constant 112 : index
        %swap3A_612 = tpu.vector_load %arg11[%swap3A_611] {strides = array<i32>} : memref<128xf32, #tpu.memory_space<vmem>>, vector<16xf32>,
        tpu.vector_store %arg11[%swap3A_611], %select_n3A_595 {strides = array<i32>} : memref<128xf32, #tpu.memory_space<vmem>>, vector<16xf32>,
        %add3A_613 = arith.addf %add3A_589, %add3A_592 : vector<16xf32>
        %reduce_max3A_614 = arith.constant true
        %reduce_max3A_615 = vector.broadcast %reduce_max3A_614 : i1 to vector<16xi1>
        %reduce_max3A_616 = tpu.scan <max>, %add3A_613 masked %reduce_max3A_615 : vector<16xf32>, vector<16xi1> -> vector<16xf32>
        %reduce_max3A_617 = vector.extract %reduce_max3A_616[15] : f32 from vector<16xf32>
        %slice3A_618 = vector.extract_strided_slice %masked_sort3A_605 {offsets = [0], sizes = [1], strides = [1]} : vector<16xf32> to vector<1xf32>
        %squeeze3A_619 = vector.extract %slice3A_618[0] : f32 from vector<1xf32>
        %slice3A_620 = vector.extract_strided_slice %masked_sort3A_605 {offsets = [1], sizes = [1], strides = [1]} : vector<16xf32> to vector<1xf32>
        %squeeze3A_621 = vector.extract %slice3A_620[0] : f32 from vector<1xf32>
        %add3A_622 = arith.addf %squeeze3A_619, %squeeze3A_621 : f32
        %max3A_623 = arith.maximumf %add3A_622, %reduce_max3A_617 : f32
        %eq3A_624 = arith.constant 7 : i32
        %eq3A_625 = vector.broadcast %eq3A_624 : i32 to vector<16xi32>
        %eq3A_626 = arith.cmpi eq, %iota3A, %eq3A_625 : vector<16xi32>
        %broadcast_in_dim3A_627 = vector.broadcast %max3A_623 : f32 to vector<16xf32>
        %select_n3A_628 = arith.select %eq3A_626, %broadcast_in_dim3A_627, %select_n3A_552 : vector<16xi1>, vector<16xf32>
        %masked_sort3A_629 = arith.constant dense<true> : vector<16xi1>
        %masked_sort3A_630, %masked_sort3A_631, %masked_sort3A_632 = tpu.sort %select_n3A_628, %iota3A masked %masked_sort3A_629 {descending = true} : (vector<16xf32>, vector<16xi32>, vector<16xi1>) -> (vector<16xi1>, vector<16xf32>, vector<16xi32>)
        %slice3A_633 = vector.extract_strided_slice %masked_sort3A_632 {offsets = [0], sizes = [1], strides = [1]} : vector<16xi32> to vector<1xi32>
        %squeeze3A_634 = vector.extract %slice3A_633[0] : i32 from vector<1xi32>
        %mul3A_635 = arith.constant 16 : i32
        %mul3A_636 = arith.muli %squeeze3A_634, %mul3A_635 : i32
        %get3A_637 = arith.index_cast %mul3A_636 : i32 to index
        %get3A_638 = tpu.vector_load %arg9[%get3A_637] {strides = array<i32>} : memref<128xf32, #tpu.memory_space<vmem>>, vector<16xf32>,
        %get3A_639 = arith.index_cast %mul3A_636 : i32 to index
        %get3A_640 = tpu.vector_load %arg10[%get3A_639] {strides = array<i32>} : memref<128xi32, #tpu.memory_space<vmem>>, vector<16xi32>,
        %sub3A = arith.constant 8 : i32
        %sub3A_641 = vector.broadcast %sub3A : i32 to vector<16xi32>
        %sub3A_642 = arith.subi %iota3A, %sub3A_641 : vector<16xi32>
        %and3A = arith.constant 15 : i32
        %and3A_643 = vector.broadcast %and3A : i32 to vector<16xi32>
        %and3A_644 = arith.andi %sub3A_642, %and3A_643 : vector<16xi32>
        %add3A_645 = vector.broadcast %mul3A_636 : i32 to vector<16xi32>
        %add3A_646 = arith.addi %add3A_645, %and3A_644 : vector<16xi32>
        %gather3A = tpu.vector_load_idx %arg10[%add3A_646] : memref<128xi32, #tpu.memory_space<vmem>>[vector<16xi32>], vector<16xi32>,
        %and3A_647 = arith.constant 15 : i32
        %and3A_648 = vector.broadcast %and3A_647 : i32 to vector<16xi32>
        %and3A_649 = arith.andi %gather3A, %and3A_648 : vector<16xi32>
        %add3A_650 = vector.broadcast %mul3A_636 : i32 to vector<16xi32>
        %add3A_651 = arith.addi %add3A_650, %and3A_649 : vector<16xi32>
        %gather3A_652 = tpu.vector_load_idx %arg11[%add3A_651] : memref<128xf32, #tpu.memory_space<vmem>>[vector<16xi32>], vector<16xf32>,
        %lt3A = arith.constant 8 : i32
        %lt3A_653 = vector.broadcast %lt3A : i32 to vector<16xi32>
        %lt3A_654 = arith.cmpi slt, %iota3A, %lt3A_653 : vector<16xi32>
        %select_n3A_655 = arith.select %lt3A_654, %get3A_638, %gather3A_652 : vector<16xi1>, vector<16xf32>
        %xor3A = arith.constant 16 : i32
        %xor3A_656 = vector.broadcast %xor3A : i32 to vector<16xi32>
        %xor3A_657 = arith.xori %gather3A, %xor3A_656 : vector<16xi32>
        %select_n3A_658 = arith.select %lt3A_654, %get3A_640, %xor3A_657 : vector<16xi1>, vector<16xi32>
        %masked_sort3A_659 = arith.constant dense<true> : vector<16xi1>
        %masked_sort3A_660, %masked_sort3A_661, %masked_sort3A_662 = tpu.sort %select_n3A_655, %select_n3A_658 masked %masked_sort3A_659 {descending = true} : (vector<16xf32>, vector<16xi32>, vector<16xi1>) -> (vector<16xi1>, vector<16xf32>, vector<16xi32>)
        %slice3A_663 = vector.extract_strided_slice %masked_sort3A_632 {offsets = [1], sizes = [1], strides = [1]} : vector<16xi32> to vector<1xi32>
        %squeeze3A_664 = vector.extract %slice3A_663[0] : i32 from vector<1xi32>
        %mul3A_665 = arith.constant 16 : i32
        %mul3A_666 = arith.muli %squeeze3A_664, %mul3A_665 : i32
        %get3A_667 = arith.index_cast %mul3A_666 : i32 to index
        %get3A_668 = tpu.vector_load %arg9[%get3A_667] {strides = array<i32>} : memref<128xf32, #tpu.memory_space<vmem>>, vector<16xf32>,
        %get3A_669 = arith.index_cast %mul3A_666 : i32 to index
        %get3A_670 = tpu.vector_load %arg10[%get3A_669] {strides = array<i32>} : memref<128xi32, #tpu.memory_space<vmem>>, vector<16xi32>,
        %sub3A_671 = arith.constant 8 : i32
        %sub3A_672 = vector.broadcast %sub3A_671 : i32 to vector<16xi32>
        %sub3A_673 = arith.subi %iota3A, %sub3A_672 : vector<16xi32>
        %and3A_674 = arith.constant 15 : i32
        %and3A_675 = vector.broadcast %and3A_674 : i32 to vector<16xi32>
        %and3A_676 = arith.andi %sub3A_673, %and3A_675 : vector<16xi32>
        %add3A_677 = vector.broadcast %mul3A_666 : i32 to vector<16xi32>
        %add3A_678 = arith.addi %add3A_677, %and3A_676 : vector<16xi32>
        %gather3A_679 = tpu.vector_load_idx %arg10[%add3A_678] : memref<128xi32, #tpu.memory_space<vmem>>[vector<16xi32>], vector<16xi32>,
        %and3A_680 = arith.constant 15 : i32
        %and3A_681 = vector.broadcast %and3A_680 : i32 to vector<16xi32>
        %and3A_682 = arith.andi %gather3A_679, %and3A_681 : vector<16xi32>
        %add3A_683 = vector.broadcast %mul3A_666 : i32 to vector<16xi32>
        %add3A_684 = arith.addi %add3A_683, %and3A_682 : vector<16xi32>
        %gather3A_685 = tpu.vector_load_idx %arg11[%add3A_684] : memref<128xf32, #tpu.memory_space<vmem>>[vector<16xi32>], vector<16xf32>,
        %lt3A_686 = arith.constant 8 : i32
        %lt3A_687 = vector.broadcast %lt3A_686 : i32 to vector<16xi32>
        %lt3A_688 = arith.cmpi slt, %iota3A, %lt3A_687 : vector<16xi32>
        %select_n3A_689 = arith.select %lt3A_688, %get3A_668, %gather3A_685 : vector<16xi1>, vector<16xf32>
        %xor3A_690 = arith.constant 16 : i32
        %xor3A_691 = vector.broadcast %xor3A_690 : i32 to vector<16xi32>
        %xor3A_692 = arith.xori %gather3A_679, %xor3A_691 : vector<16xi32>
        %select_n3A_693 = arith.select %lt3A_688, %get3A_670, %xor3A_692 : vector<16xi1>, vector<16xi32>
        %masked_sort3A_694 = arith.constant dense<true> : vector<16xi1>
        %masked_sort3A_695, %masked_sort3A_696, %masked_sort3A_697 = tpu.sort %select_n3A_689, %select_n3A_693 masked %masked_sort3A_694 {descending = true} : (vector<16xf32>, vector<16xi32>, vector<16xi1>) -> (vector<16xi1>, vector<16xf32>, vector<16xi32>)
        %slice3A_698 = vector.extract_strided_slice %masked_sort3A_632 {offsets = [2], sizes = [1], strides = [1]} : vector<16xi32> to vector<1xi32>
        %squeeze3A_699 = vector.extract %slice3A_698[0] : i32 from vector<1xi32>
        %mul3A_700 = arith.constant 16 : i32
        %mul3A_701 = arith.muli %squeeze3A_699, %mul3A_700 : i32
        %get3A_702 = arith.index_cast %mul3A_701 : i32 to index
        %get3A_703 = tpu.vector_load %arg9[%get3A_702] {strides = array<i32>} : memref<128xf32, #tpu.memory_space<vmem>>, vector<16xf32>,
        %get3A_704 = arith.index_cast %mul3A_701 : i32 to index
        %get3A_705 = tpu.vector_load %arg10[%get3A_704] {strides = array<i32>} : memref<128xi32, #tpu.memory_space<vmem>>, vector<16xi32>,
        %sub3A_706 = arith.constant 8 : i32
        %sub3A_707 = vector.broadcast %sub3A_706 : i32 to vector<16xi32>
        %sub3A_708 = arith.subi %iota3A, %sub3A_707 : vector<16xi32>
        %and3A_709 = arith.constant 15 : i32
        %and3A_710 = vector.broadcast %and3A_709 : i32 to vector<16xi32>
        %and3A_711 = arith.andi %sub3A_708, %and3A_710 : vector<16xi32>
        %add3A_712 = vector.broadcast %mul3A_701 : i32 to vector<16xi32>
        %add3A_713 = arith.addi %add3A_712, %and3A_711 : vector<16xi32>
        %gather3A_714 = tpu.vector_load_idx %arg10[%add3A_713] : memref<128xi32, #tpu.memory_space<vmem>>[vector<16xi32>], vector<16xi32>,
        %and3A_715 = arith.constant 15 : i32
        %and3A_716 = vector.broadcast %and3A_715 : i32 to vector<16xi32>
        %and3A_717 = arith.andi %gather3A_714, %and3A_716 : vector<16xi32>
        %add3A_718 = vector.broadcast %mul3A_701 : i32 to vector<16xi32>
        %add3A_719 = arith.addi %add3A_718, %and3A_717 : vector<16xi32>
        %gather3A_720 = tpu.vector_load_idx %arg11[%add3A_719] : memref<128xf32, #tpu.memory_space<vmem>>[vector<16xi32>], vector<16xf32>,
        %lt3A_721 = arith.constant 8 : i32
        %lt3A_722 = vector.broadcast %lt3A_721 : i32 to vector<16xi32>
        %lt3A_723 = arith.cmpi slt, %iota3A, %lt3A_722 : vector<16xi32>
        %select_n3A_724 = arith.select %lt3A_723, %get3A_703, %gather3A_720 : vector<16xi1>, vector<16xf32>
        %xor3A_725 = arith.constant 16 : i32
        %xor3A_726 = vector.broadcast %xor3A_725 : i32 to vector<16xi32>
        %xor3A_727 = arith.xori %gather3A_714, %xor3A_726 : vector<16xi32>
        %select_n3A_728 = arith.select %lt3A_723, %get3A_705, %xor3A_727 : vector<16xi1>, vector<16xi32>
        %masked_sort3A_729 = arith.constant dense<true> : vector<16xi1>
        %masked_sort3A_730, %masked_sort3A_731, %masked_sort3A_732 = tpu.sort %select_n3A_724, %select_n3A_728 masked %masked_sort3A_729 {descending = true} : (vector<16xf32>, vector<16xi32>, vector<16xi1>) -> (vector<16xi1>, vector<16xf32>, vector<16xi32>)
        %slice3A_733 = vector.extract_strided_slice %masked_sort3A_632 {offsets = [3], sizes = [1], strides = [1]} : vector<16xi32> to vector<1xi32>
        %squeeze3A_734 = vector.extract %slice3A_733[0] : i32 from vector<1xi32>
        %mul3A_735 = arith.constant 16 : i32
        %mul3A_736 = arith.muli %squeeze3A_734, %mul3A_735 : i32
        %get3A_737 = arith.index_cast %mul3A_736 : i32 to index
        %get3A_738 = tpu.vector_load %arg9[%get3A_737] {strides = array<i32>} : memref<128xf32, #tpu.memory_space<vmem>>, vector<16xf32>,
        %get3A_739 = arith.index_cast %mul3A_736 : i32 to index
        %get3A_740 = tpu.vector_load %arg10[%get3A_739] {strides = array<i32>} : memref<128xi32, #tpu.memory_space<vmem>>, vector<16xi32>,
        %sub3A_741 = arith.constant 8 : i32
        %sub3A_742 = vector.broadcast %sub3A_741 : i32 to vector<16xi32>
        %sub3A_743 = arith.subi %iota3A, %sub3A_742 : vector<16xi32>
        %and3A_744 = arith.constant 15 : i32
        %and3A_745 = vector.broadcast %and3A_744 : i32 to vector<16xi32>
        %and3A_746 = arith.andi %sub3A_743, %and3A_745 : vector<16xi32>
        %add3A_747 = vector.broadcast %mul3A_736 : i32 to vector<16xi32>
        %add3A_748 = arith.addi %add3A_747, %and3A_746 : vector<16xi32>
        %gather3A_749 = tpu.vector_load_idx %arg10[%add3A_748] : memref<128xi32, #tpu.memory_space<vmem>>[vector<16xi32>], vector<16xi32>,
        %and3A_750 = arith.constant 15 : i32
        %and3A_751 = vector.broadcast %and3A_750 : i32 to vector<16xi32>
        %and3A_752 = arith.andi %gather3A_749, %and3A_751 : vector<16xi32>
        %add3A_753 = vector.broadcast %mul3A_736 : i32 to vector<16xi32>
        %add3A_754 = arith.addi %add3A_753, %and3A_752 : vector<16xi32>
        %gather3A_755 = tpu.vector_load_idx %arg11[%add3A_754] : memref<128xf32, #tpu.memory_space<vmem>>[vector<16xi32>], vector<16xf32>,
        %lt3A_756 = arith.constant 8 : i32
        %lt3A_757 = vector.broadcast %lt3A_756 : i32 to vector<16xi32>
        %lt3A_758 = arith.cmpi slt, %iota3A, %lt3A_757 : vector<16xi32>
        %select_n3A_759 = arith.select %lt3A_758, %get3A_738, %gather3A_755 : vector<16xi1>, vector<16xf32>
        %xor3A_760 = arith.constant 16 : i32
        %xor3A_761 = vector.broadcast %xor3A_760 : i32 to vector<16xi32>
        %xor3A_762 = arith.xori %gather3A_749, %xor3A_761 : vector<16xi32>
        %select_n3A_763 = arith.select %lt3A_758, %get3A_740, %xor3A_762 : vector<16xi1>, vector<16xi32>
        %masked_sort3A_764 = arith.constant dense<true> : vector<16xi1>
        %masked_sort3A_765, %masked_sort3A_766, %masked_sort3A_767 = tpu.sort %select_n3A_759, %select_n3A_763 masked %masked_sort3A_764 {descending = true} : (vector<16xf32>, vector<16xi32>, vector<16xi1>) -> (vector<16xi1>, vector<16xf32>, vector<16xi32>)
        %rev3A = arith.constant 15 : i32
        %rev3A_768 = vector.broadcast %rev3A : i32 to vector<16xi32>
        %rev3A_769 = tpu.iota {dimensions = array<i32: 0>} : vector<16xi32>
        %rev3A_770 = arith.subi %rev3A_768, %rev3A_769 : vector<16xi32>
        %rev3A_771 = tpu.dynamic_gather %masked_sort3A_696[%rev3A_770] in [0] : vector<16xf32>, vector<16xi32> -> vector<16xf32>
        %rev3A_772 = arith.constant 15 : i32
        %rev3A_773 = vector.broadcast %rev3A_772 : i32 to vector<16xi32>
        %rev3A_774 = tpu.iota {dimensions = array<i32: 0>} : vector<16xi32>
        %rev3A_775 = arith.subi %rev3A_773, %rev3A_774 : vector<16xi32>
        %rev3A_776 = tpu.dynamic_gather %masked_sort3A_697[%rev3A_775] in [0] : vector<16xi32>, vector<16xi32> -> vector<16xi32>
        %ge3A_777 = arith.cmpf oge, %masked_sort3A_661, %rev3A_771 : vector<16xf32>
        %select_n3A_778 = arith.select %ge3A_777, %masked_sort3A_661, %rev3A_771 : vector<16xi1>, vector<16xf32>
        %select_n3A_779 = arith.select %ge3A_777, %masked_sort3A_662, %rev3A_776 : vector<16xi1>, vector<16xi32>
        %masked_sort3A_780 = arith.constant dense<true> : vector<16xi1>
        %masked_sort3A_781, %masked_sort3A_782, %masked_sort3A_783 = tpu.sort %select_n3A_778, %select_n3A_779 masked %masked_sort3A_780 {descending = true} : (vector<16xf32>, vector<16xi32>, vector<16xi1>) -> (vector<16xi1>, vector<16xf32>, vector<16xi32>)
        %rev3A_784 = arith.constant 15 : i32
        %rev3A_785 = vector.broadcast %rev3A_784 : i32 to vector<16xi32>
        %rev3A_786 = tpu.iota {dimensions = array<i32: 0>} : vector<16xi32>
        %rev3A_787 = arith.subi %rev3A_785, %rev3A_786 : vector<16xi32>
        %rev3A_788 = tpu.dynamic_gather %masked_sort3A_766[%rev3A_787] in [0] : vector<16xf32>, vector<16xi32> -> vector<16xf32>
        %rev3A_789 = arith.constant 15 : i32
        %rev3A_790 = vector.broadcast %rev3A_789 : i32 to vector<16xi32>
        %rev3A_791 = tpu.iota {dimensions = array<i32: 0>} : vector<16xi32>
        %rev3A_792 = arith.subi %rev3A_790, %rev3A_791 : vector<16xi32>
        %rev3A_793 = tpu.dynamic_gather %masked_sort3A_767[%rev3A_792] in [0] : vector<16xi32>, vector<16xi32> -> vector<16xi32>
        %ge3A_794 = arith.cmpf oge, %masked_sort3A_731, %rev3A_788 : vector<16xf32>
        %select_n3A_795 = arith.select %ge3A_794, %masked_sort3A_731, %rev3A_788 : vector<16xi1>, vector<16xf32>
        %select_n3A_796 = arith.select %ge3A_794, %masked_sort3A_732, %rev3A_793 : vector<16xi1>, vector<16xi32>
        %masked_sort3A_797 = arith.constant dense<true> : vector<16xi1>
        %masked_sort3A_798, %masked_sort3A_799, %masked_sort3A_800 = tpu.sort %select_n3A_795, %select_n3A_796 masked %masked_sort3A_797 {descending = true} : (vector<16xf32>, vector<16xi32>, vector<16xi1>) -> (vector<16xi1>, vector<16xf32>, vector<16xi32>)
        %rev3A_801 = arith.constant 15 : i32
        %rev3A_802 = vector.broadcast %rev3A_801 : i32 to vector<16xi32>
        %rev3A_803 = tpu.iota {dimensions = array<i32: 0>} : vector<16xi32>
        %rev3A_804 = arith.subi %rev3A_802, %rev3A_803 : vector<16xi32>
        %rev3A_805 = tpu.dynamic_gather %masked_sort3A_799[%rev3A_804] in [0] : vector<16xf32>, vector<16xi32> -> vector<16xf32>
        %rev3A_806 = arith.constant 15 : i32
        %rev3A_807 = vector.broadcast %rev3A_806 : i32 to vector<16xi32>
        %rev3A_808 = tpu.iota {dimensions = array<i32: 0>} : vector<16xi32>
        %rev3A_809 = arith.subi %rev3A_807, %rev3A_808 : vector<16xi32>
        %rev3A_810 = tpu.dynamic_gather %masked_sort3A_800[%rev3A_809] in [0] : vector<16xi32>, vector<16xi32> -> vector<16xi32>
        %ge3A_811 = arith.cmpf oge, %masked_sort3A_782, %rev3A_805 : vector<16xf32>
        %select_n3A_812 = arith.select %ge3A_811, %masked_sort3A_782, %rev3A_805 : vector<16xi1>, vector<16xf32>
        %select_n3A_813 = arith.select %ge3A_811, %masked_sort3A_783, %rev3A_810 : vector<16xi1>, vector<16xi32>
        %masked_sort3A_814 = arith.constant dense<true> : vector<16xi1>
        %masked_sort3A_815, %masked_sort3A_816, %masked_sort3A_817 = tpu.sort %select_n3A_812, %select_n3A_813 masked %masked_sort3A_814 {descending = true} : (vector<16xf32>, vector<16xi32>, vector<16xi1>) -> (vector<16xi1>, vector<16xf32>, vector<16xi32>)
        %lt3A_818 = arith.constant 8 : i32
        %lt3A_819 = vector.broadcast %lt3A_818 : i32 to vector<16xi32>
        %lt3A_820 = arith.cmpi slt, %iota3A, %lt3A_819 : vector<16xi32>
        %gather3A_821 = tpu.vector_load_idx %arg8[%masked_sort3A_817] : memref<256xf32, #tpu.memory_space<vmem>>[vector<16xi32>], vector<16xf32>,
        %jit3A = arith.constant 0.000000e+00 : f32
        %broadcast_in_dim3A_822 = vector.broadcast %jit3A : f32 to vector<16xf32>
        %select_n3A_823 = arith.select %lt3A_820, %gather3A_821, %broadcast_in_dim3A_822 : vector<16xi1>, vector<16xf32>
        %reduce_sum3A = arith.constant true
        %reduce_sum3A_824 = vector.broadcast %reduce_sum3A : i1 to vector<16xi1>
        %reduce_sum3A_825 = tpu.scan <sum>, %select_n3A_823 masked %reduce_sum3A_824 : vector<16xf32>, vector<16xi1> -> vector<16xf32>
        %reduce_sum3A_826 = vector.extract %reduce_sum3A_825[15] : f32 from vector<16xf32>
        %add3A_827 = arith.constant 9.99999968E-21 : f32
        %add3A_828 = arith.addf %reduce_sum3A_826, %add3A_827 : f32
        %broadcast_in_dim3A_829 = vector.broadcast %add3A_828 : f32 to vector<16xf32>
        %mul3A_830 = arith.constant 2.500000e+00 : f32
        %mul3A_831 = vector.broadcast %mul3A_830 : f32 to vector<16xf32>
        %mul3A_832 = arith.mulf %select_n3A_823, %mul3A_831 : vector<16xf32>
        %div3A_833 = arith.divf %mul3A_832, %broadcast_in_dim3A_829 : vector<16xf32>
        %jit3A_834 = arith.constant -1.000000e+00 : f32
        %broadcast_in_dim3A_835 = vector.broadcast %jit3A_834 : f32 to vector<16xf32>
        %select_n3A_836 = arith.select %lt3A_820, %div3A_833, %broadcast_in_dim3A_835 : vector<16xi1>, vector<16xf32>
        %masked_sort3A_837 = arith.constant dense<true> : vector<16xi1>
        %masked_sort3A_838, %masked_sort3A_839, %masked_sort3A_840 = tpu.sort %select_n3A_836, %masked_sort3A_817 masked %masked_sort3A_837 {descending = true} : (vector<16xf32>, vector<16xi32>, vector<16xi1>) -> (vector<16xi1>, vector<16xf32>, vector<16xi32>)
        %mul3A_841 = arith.constant 8 : i32
        %mul3A_842 = arith.muli %add3A_30, %mul3A_841 : i32
        %swap3A_843 = arith.index_cast %mul3A_842 : i32 to index
        %swap3A_844 = tpu.vector_load %arg13[%swap3A_843] masked %lt3A_820 {strides = array<i32>} : memref<1032xf32, #tpu.memory_space<vmem>>, vector<16xf32>, vector<16xi1>
        tpu.vector_store %arg13[%swap3A_843], %masked_sort3A_839 masked %lt3A_820 {strides = array<i32>} : memref<1032xf32, #tpu.memory_space<vmem>>, vector<16xf32>, vector<16xi1>
        %mul3A_845 = arith.constant 8 : i32
        %mul3A_846 = arith.muli %add3A_30, %mul3A_845 : i32
        %swap3A_847 = arith.index_cast %mul3A_846 : i32 to index
        %swap3A_848 = tpu.vector_load %arg12[%swap3A_847] masked %lt3A_820 {strides = array<i32>} : memref<1032xi32, #tpu.memory_space<vmem>>, vector<16xi32>, vector<16xi1>
        tpu.vector_store %arg12[%swap3A_847], %masked_sort3A_840 masked %lt3A_820 {strides = array<i32>} : memref<1032xi32, #tpu.memory_space<vmem>>, vector<16xi32>, vector<16xi1>
      }
      %scan3A_21 = arith.constant 128 : i32
      %mul3A_22 = arith.constant 8 : i32
      %mul3A_23 = arith.muli %add3A_14, %mul3A_22 : i32
      "tpu.region"() ({
        %run_scoped3A = tpu.sem_alloc : memref<!tpu.dma_semaphore, #tpu.memory_space<semaphore_mem>>
        %dma_start3A = arith.constant 0 : i32
        %dma_start3A_26 = tpu.memref_slice %arg13[%dma_start3A] : memref<1032xf32, #tpu.memory_space<vmem>> -> memref<1024xf32, #tpu.memory_space<vmem>>
        %dma_start3A_27 = tpu.memref_slice %arg5[%mul3A_23] : memref<131072xf32, #tpu.memory_space<hbm>> -> memref<1024xf32, #tpu.memory_space<hbm>>
        %dma_start3A_28 = tpu.memref_slice %arg5[%mul3A_23] : memref<131072xf32, #tpu.memory_space<hbm>> -> memref<1024xf32, #tpu.memory_space<hbm>>
        %dma_start3A_29 = arith.constant 0 : i32
        %dma_start3A_30 = tpu.memref_slice %arg13[%dma_start3A_29] : memref<1032xf32, #tpu.memory_space<vmem>> -> memref<1024xf32, #tpu.memory_space<vmem>>
        tpu.enqueue_dma source(%dma_start3A_30 : memref<1024xf32, #tpu.memory_space<vmem>>) target(%dma_start3A_28 : memref<1024xf32, #tpu.memory_space<hbm>>) target_semaphore(%run_scoped3A : memref<!tpu.dma_semaphore, #tpu.memory_space<semaphore_mem>>)
        %dma_wait3A = arith.constant 0 : i32
        %dma_wait3A_31 = tpu.memref_slice %arg13[%dma_wait3A] : memref<1032xf32, #tpu.memory_space<vmem>> -> memref<1024xf32, #tpu.memory_space<vmem>>
        %dma_wait3A_32 = tpu.memref_slice %arg5[%mul3A_23] : memref<131072xf32, #tpu.memory_space<hbm>> -> memref<1024xf32, #tpu.memory_space<hbm>>
        %dma_wait3A_33 = tpu.memref_slice %arg5[%mul3A_23] : memref<131072xf32, #tpu.memory_space<hbm>> -> memref<1024xf32, #tpu.memory_space<hbm>>
        %dma_wait3A_34 = arith.constant 0 : i32
        %dma_wait3A_35 = tpu.memref_slice %arg13[%dma_wait3A_34] : memref<1032xf32, #tpu.memory_space<vmem>> -> memref<1024xf32, #tpu.memory_space<vmem>>
        tpu.wait_dma2 semaphore(%run_scoped3A : memref<!tpu.dma_semaphore, #tpu.memory_space<semaphore_mem>>) src(%dma_wait3A_35 : memref<1024xf32, #tpu.memory_space<vmem>>) dst(%dma_wait3A_33 : memref<1024xf32, #tpu.memory_space<hbm>>)
        tpu.yield
      }) : () -> ()
      %mul3A_24 = arith.constant 8 : i32
      %mul3A_25 = arith.muli %add3A_14, %mul3A_24 : i32
      "tpu.region"() ({
        %run_scoped3A = tpu.sem_alloc : memref<!tpu.dma_semaphore, #tpu.memory_space<semaphore_mem>>
        %dma_start3A = arith.constant 0 : i32
        %dma_start3A_26 = tpu.memref_slice %arg12[%dma_start3A] : memref<1032xi32, #tpu.memory_space<vmem>> -> memref<1024xi32, #tpu.memory_space<vmem>>
        %dma_start3A_27 = tpu.memref_slice %arg4[%mul3A_25] : memref<131072xi32, #tpu.memory_space<hbm>> -> memref<1024xi32, #tpu.memory_space<hbm>>
        %dma_start3A_28 = tpu.memref_slice %arg4[%mul3A_25] : memref<131072xi32, #tpu.memory_space<hbm>> -> memref<1024xi32, #tpu.memory_space<hbm>>
        %dma_start3A_29 = arith.constant 0 : i32
        %dma_start3A_30 = tpu.memref_slice %arg12[%dma_start3A_29] : memref<1032xi32, #tpu.memory_space<vmem>> -> memref<1024xi32, #tpu.memory_space<vmem>>
        tpu.enqueue_dma source(%dma_start3A_30 : memref<1024xi32, #tpu.memory_space<vmem>>) target(%dma_start3A_28 : memref<1024xi32, #tpu.memory_space<hbm>>) target_semaphore(%run_scoped3A : memref<!tpu.dma_semaphore, #tpu.memory_space<semaphore_mem>>)
        %dma_wait3A = arith.constant 0 : i32
        %dma_wait3A_31 = tpu.memref_slice %arg12[%dma_wait3A] : memref<1032xi32, #tpu.memory_space<vmem>> -> memref<1024xi32, #tpu.memory_space<vmem>>
        %dma_wait3A_32 = tpu.memref_slice %arg4[%mul3A_25] : memref<131072xi32, #tpu.memory_space<hbm>> -> memref<1024xi32, #tpu.memory_space<hbm>>
        %dma_wait3A_33 = tpu.memref_slice %arg4[%mul3A_25] : memref<131072xi32, #tpu.memory_space<hbm>> -> memref<1024xi32, #tpu.memory_space<hbm>>
        %dma_wait3A_34 = arith.constant 0 : i32
        %dma_wait3A_35 = tpu.memref_slice %arg12[%dma_wait3A_34] : memref<1032xi32, #tpu.memory_space<vmem>> -> memref<1024xi32, #tpu.memory_space<vmem>>
        tpu.wait_dma2 semaphore(%run_scoped3A : memref<!tpu.dma_semaphore, #tpu.memory_space<semaphore_mem>>) src(%dma_wait3A_35 : memref<1024xi32, #tpu.memory_space<vmem>>) dst(%dma_wait3A_33 : memref<1024xi32, #tpu.memory_space<hbm>>)
        tpu.yield
      }) : () -> ()
    }
    %scan3A_6 = arith.constant 4 : i32
    return
  }
}

</mosaic_0001>

<sc_bundles>
// kernel: kernel.3.cloned.1.call-start
scs
__scs_entry_jumppad:
0x0: {  	(pc) =	sbr.rel $0x88, $3  }
0x1: {  	(tag) =	ssettag $0x0;
	lr =	simm.s32 $0x1  }
0x2: {  	[smem:$0x3F9F] =	sst lr;
	_ =	strace $0xD0000000  }
0x3: {  	_ = 	snop  }
0x4: {  	_ = 	snop  }
0x5: {  	_ = 	snop  }
0x6: {  	_ = 	snop  }
0x7: {  	_ = 	snop  }
__scs_overlays_trampoline_lowered:
0x8: {  	[smem:$0x3FAE] =	sst s0  }
0x9: {  	[smem:$0x3FAF] =	sst s1  }
0xa: {  	[smem:$0x3FB0] =	sst s2  }
0xb: {  	[smem:$0x3FB1] =	sst s3  }
0xc: {  	[smem:$0x3FB2] =	sst s4  }
0xd: {  	[smem:$0x3FB3] =	sst s5  }
0xe: {  	[smem:$0x3FB4] =	sst s6  }
0xf: {  	[smem:$0x3FB5] =	sst s7  }
0x10: {  	[smem:$0x3FB6] =	sst s8  }
0x11: {  	[smem:$0x3FB7] =	sst s9;
	s0 =	simm.s32 @!p0 $0x0  }
0x12: {  	s1 =	sld [smem:$0x3F9D];
	s0 =	simm.s32 @p0 $0x1  }
0x13: {  	[smem:$0x3FB8] =	sst s0;
	s0 =	simm.s32 @!p1 $0x0  }
0x14: {  	s2 =	sld [smem:$0x3F9C];
	s0 =	simm.s32 @p1 $0x1  }
0x15: {  	[smem:$0x3FB9] =	sst s0;
	s0 =	simm.s32 @!p2 $0x0  }
0x16: {  	s3 =	sld [smem:$0x3FDB];
	s0 =	simm.s32 @p2 $0x1  }
0x17: {  	s4 =	simm.s32 $0x1BF5;
	[smem:$0x3FBB] =	sst s0  }
0x18: {  	s0 =	sld [smem:$0x3F9E];
	_ =	swait.ge [sflag:s4], $0x0  }
0x19: {  	s7 =	sld [smem:$0x3F9F]  }
0x1a: {  	s8 =	sadd.s32 $0xFFFFE003, lr  }
0x1b: {  	s9 =	sadd.s32 $0xFFFFFEF7, lr;
	s5 =	simm.s32 $0xFFFFFFFF;
	p2 =	slt.u32 s8, $0xFFFFF086  }
0x1c: {  	p1 =	slt.u32 s9, $0xF7A;
	s5 =	simm.s32 @!p2 $0x0  }
0x1d: {  	s5 =	simm.s32 @p1 $0x1;
	p0 =	seq.s32 s7, s2  }
0x1e: {  	s7 =	smul.u32 @!p0 $0xF7A, s2;
	p2 =	seq.s32 @!p0 s5, $0x0  }
0x1f: {  	s9 =	smul.u32 $0xF7A, s1;
	s8 =	simm.s32 @!p0 $0x1BF5;
	p2 =	por !p2, p0  }
0x20: {  	[sflag:s8] =	ssyncset.s32 @!p0 $0xFFFFF086;
	s6 =	sadd.s32 @!p0 s3, s7;
	s7 =	simm.s32 @!p0 $0x108  }
0x21: {  	s3 =	sadd.s32 s3, s9;
	s6 =	sadd.s32 @!p0 $0x88, s6;
	s7 =	simm.s32 @p2 $0x1082  }
0x22: {  	[simem:s7], [sflag:s8] =	dma.local @!p0 [hbm:s6], $0xF7A  }
0x23: {  	s9 =	sor.u32 $0xD0000000, s2;
	s6 =	simm.s32 $0x108;
	_ =	swait.ge @!p0 [sflag:s8], $0x0  }
0x24: {  	s3 =	sadd.s32 $0x88, s3;
	s6 =	simm.s32 @!p1 $0x1082;
	[sflag:s4] =	ssyncset.s32 $0xFFFFF086  }
0x25: {  	[simem:s6], [sflag:s4] =	dma.local [hbm:s3], $0xF7A  }
0x26: {  	[smem:$0x3F9F] =	sst s1;
	(tag) =	ssettag s2;
	_ =	strace s9  }
0x27: {  	s1 =	sld [smem:$0x3FAF]  }
0x28: {  	s2 =	sld [smem:$0x3FB0]  }
0x29: {  	s4 =	sld [smem:$0x3FB2]  }
0x2a: {  	p0 =	seq.s32 s5, $0x0;
	s5 =	sld [smem:$0x3FB3]  }
0x2b: {  	s6 =	sld [smem:$0x3FB4]  }
0x2c: {  	s7 =	sld [smem:$0x3FB5]  }
0x2d: {  	s3 =	simm.s32 $0x108;
	s8 =	sld [smem:$0x3FB6]  }
0x2e: {  	s3 =	simm.s32 @!p0 $0x1082;
	s9 =	sld [smem:$0x3FB7]  }
0x2f: {  	lr =	sadd.s32 s0, s3;
	s0 =	sld [smem:$0x3FAE]  }
0x30: {  	s3 =	sld [smem:$0x3FB1]  }
0x31: {  	[smem:$0x3FBA] =	sst s10  }
0x32: {  	s10 =	sld [smem:$0x3FB8];
	_ =	sdelay $0x3  }
0x33: {  	p0 =	seq.s32 s10, $0x1;
	s10 =	sld [smem:$0x3FBA];
	_ =	sdelay $0x3  }
0x34: {  	[smem:$0x3FBA] =	sst s10  }
0x35: {  	s10 =	sld [smem:$0x3FB9];
	_ =	sdelay $0x3  }
0x36: {  	p1 =	seq.s32 s10, $0x1;
	s10 =	sld [smem:$0x3FBA];
	_ =	sdelay $0x3  }
0x37: {  	[smem:$0x3FBA] =	sst s10  }
0x38: {  	s10 =	sld [smem:$0x3FBB]  }
0x39: {  	_ = 	snop;
	(pc) =	sbr.ind lr, $3  }
0x3a: {  	_ = 	snop  }
0x3b: {  	_ = 	snop  }
0x3c: {  	p2 =	seq.s32 s10, $0x1;
	s10 =	sld [smem:$0x3FBA]  }
0x3d: {  	_ =	shalt  }
0x3e: {  	_ =	shalt  }
0x3f: {  	_ =	shalt  }
0x40: {  	_ =	shalt  }
0x41: {  	_ =	shalt  }
0x42: {  	_ =	shalt  }
0x43: {  	_ =	shalt  }
0x44: {  	_ =	shalt  }
0x45: {  	_ =	shalt  }
0x46: {  	_ =	shalt  }
0x47: {  	_ =	shalt  }
0x48: {  	_ =	shalt  }
0x49: {  	_ =	shalt  }
0x4a: {  	_ =	shalt  }
0x4b: {  	_ =	shalt  }
0x4c: {  	_ =	shalt  }
0x4d: {  	_ =	shalt  }
0x4e: {  	_ =	shalt  }
0x4f: {  	_ =	shalt  }
0x50: {  	_ =	shalt  }
0x51: {  	_ =	shalt  }
0x52: {  	_ =	shalt  }
0x53: {  	_ =	shalt  }
0x54: {  	_ =	shalt  }
0x55: {  	_ =	shalt  }
0x56: {  	_ =	shalt  }
0x57: {  	_ =	shalt  }
0x58: {  	_ =	shalt  }
0x59: {  	_ =	shalt  }
0x5a: {  	_ =	shalt  }
0x5b: {  	_ =	shalt  }
0x5c: {  	_ =	shalt  }
0x5d: {  	_ =	shalt  }
0x5e: {  	_ =	shalt  }
0x5f: {  	_ =	shalt  }
0x60: {  	_ =	shalt  }
0x61: {  	_ =	shalt  }
0x62: {  	_ =	shalt  }
0x63: {  	_ =	shalt  }
0x64: {  	_ =	shalt  }
0x65: {  	_ =	shalt  }
0x66: {  	_ =	shalt  }
0x67: {  	_ =	shalt  }
0x68: {  	_ =	shalt  }
0x69: {  	_ =	shalt  }
0x6a: {  	_ =	shalt  }
0x6b: {  	_ =	shalt  }
0x6c: {  	_ =	shalt  }
0x6d: {  	_ =	shalt  }
0x6e: {  	_ =	shalt  }
0x6f: {  	_ =	shalt  }
0x70: {  	_ =	shalt  }
0x71: {  	_ =	shalt  }
0x72: {  	_ =	shalt  }
0x73: {  	_ =	shalt  }
0x74: {  	_ =	shalt  }
0x75: {  	_ =	shalt  }
0x76: {  	_ =	shalt  }
0x77: {  	_ =	shalt  }
0x78: {  	_ =	shalt  }
0x79: {  	_ =	shalt  }
0x7a: {  	_ =	shalt  }
0x7b: {  	_ =	shalt  }
0x7c: {  	_ =	shalt  }
0x7d: {  	_ =	shalt  }
0x7e: {  	_ =	shalt  }
0x7f: {  	_ =	shalt  }
0x80: {  	_ =	shalt  }
0x81: {  	_ =	shalt  }
0x82: {  	_ =	shalt  }
0x83: {  	_ =	shalt  }
0x84: {  	_ =	shalt  }
0x85: {  	_ =	shalt  }
0x86: {  	_ =	shalt  }
0x87: {  	_ =	shalt  }
.Lfunc_end0:
.L_simem_size_0:
called_computation_lowered:
.L_overlay_start_0:
0x88: {  	s2 =	sld [smem:$0x3FD9]  }
0x89: {  	s3 =	sld [smem:$0x3FFE];
	_ =	sdelay $0x1  }
0x8a: {  	s1 =	srdreg.scid  }
0x8b: {  	s0 =	sand.u32 $0x1, s1  }
0x8c: {  	s14 =	sshll.u32 s0, $0xA;
	s2 =	sadd.s32 s3, s2  }
0x8d: {  	s2 =	sadd.s32 s2, s14  }
0x8e: {  	[smem:$0x3FC6] =	sst s2  }
0x8f: {  	_ = 	snop  }
0x90: {  	s2 =	sld [smem:$0x3FD0];
	_ =	sdelay $0x2  }
0x91: {  	s4 =	simm.s32 $0xA;
	s5 =	simm.s32 $0x10;
	s15 =	sld [smem:$0x3FC8]  }
0x92: {  	[smem:s5], [sflag:s4] =	dma.local [hbm:s2], $0x1  }
0x93: {  	_ =	swait.eq [sflag:s4], $0x1  }
0x94: {  	[sflag:s4] =	ssyncset.done $0x0  }
0x95: {  	[sflag:s4] =	ssyncadd.s32 $0xFFFFFFFF  }
0x96: {  	s16 =	sld [smem:$0x11];
	(tm) =	ssettm $0x1  }
0x97: {  	s17 =	sld [smem:$0x3FFB];
	_ =	sdelay $0x3  }
0x98: {  	_ =	strace s17  }
0x99: {  	s4 =	sld [smem:$0x3FFC];
	_ =	sdelay $0x3  }
0x9a: {  	_ =	strace s4  }
0x9b: {  	s4 =	sld [smem:$0x3FFD];
	_ =	sdelay $0x3  }
0x9c: {  	_ =	strace s4  }
0x9d: {  	_ =	strace $0x8FFFFFFF  }
0x9e: {  	s18 =	sld [smem:$0x3FDB];
	_ =	sdelay $0x1  }
0x9f: {  	s19 =	simm.s32 $_scs_section_size  }
0xa0: {  	s6 =	simm.s32 $_size__tile_overlayer_lowered;
	s7 =	simm.s32 $_tile_overlayer_lowered  }
0xa1: {  	s22 =	simm.s32 $0x1BFF;
	s21 =	sshll.u32 s7, $0x1;
	s4 =	sadd.s32 s19, s18  }
0xa2: {  	s8 =	simm.s32 $0x0;
	s20 =	sshll.u32 s6, $0x1;
	s6 =	sadd.s32 s21, s4  }
0xa3: {  	[timem:s8], [sflag:s22] =	dma.local [hbm:s6], s20  }
0xa4: {  	_ =	swait.ge [sflag:s22], s20  }
0xa5: {  	s5 =	ssub.s32 $0x0, s20;
	[sflag:s22] =	ssyncset.done $0x0  }
0xa6: {  	[sflag:s22] =	ssyncadd.s32 s5;
	_ =	sdelay $0x1  }
0xa7: {  	s23 =	simm.s32 $0x1B8B  }
0xa8: {  	_ =	swait.ge [sflag:s23], $0x1  }
0xa9: {  	[sflag:s23] =	ssyncset.done $0x0  }
0xaa: {  	s25 =	simm.s32 $0x1B8E;
	s24 =	sld [smem:$0x3FFE];
	[sflag:s23] =	ssyncadd.s32 $0xFFFFFFFF  }
0xab: {  	s26 =	simm.s32 $execute0_lowered;
	[smem:$0x3FD2] =	sst s25  }
0xac: {  	s6 =	sshll.u32 s26, $0x1;
	_ =	strace $0x80000046;
	[dreg:$0x1] =	wrdreg $0xFFFFFFFF  }
0xad: {  	s28 =	simm.s32 $_size_execute0_lowered;
	s4 =	sadd.s32 s4, s6;
	[dreg:$0x0] =	wrdreg $0x0  }
0xae: {  	s6 =	sshll.u32 s28, $0x1;
	[dreg:$0x2] =	wrdreg s4  }
0xaf: {  	[dreg:$0x3] =	wrdreg s6  }
0xb0: {  	[dreg:$0x4] =	wrdreg $0xC0  }
0xb1: {  	_ =	task [dreg:s8], $0x5FFFF  }
0xb2: {  	[dreg:$0x1] =	wrdreg $0xFFFFFFFF  }
0xb3: {  	[dreg:$0x0] =	wrdreg $0x60  }
0xb4: {  	[dreg:$0x2] =	wrdreg s24  }
0xb5: {  	[dreg:$0x3] =	wrdreg s15  }
0xb6: {  	[dreg:$0x4] =	wrdreg s16  }
0xb7: {  	[dreg:$0x5] =	wrdreg $0x9  }
0xb8: {  	_ =	task.clear_ibuf [dreg:s8], $0x6FFFF;
	_ =	strace $0x90000046  }
0xb9: {  	s29 =	simm.s32 $0x9;
	_ =	strace $0x80000048  }
0xba: {  	_ =	swait.ge [sflag:s29], $0x1  }
0xbb: {  	[sflag:s29] =	ssyncadd.s32 $0xFFFFFFFF  }
0xbc: {  	_ =	strace $0x90000048  }
0xbd: {  	_ =	sfence  }
0xbe: {  	s30 =	sld [smem:$0x0];
	_ =	sdelay $0x2  }
0xbf: {  	s31 =	sshll.u32 s1, $0xD;
	s1 =	sshrl.u32 s1, $0x2  }
0xc0: {  	s3 =	sand.u32 $0x4000, s31;
	s1 =	sadd.s32 s1, s30  }
0xc1: {  	s0 =	sor.u32 s3, s0;
	s1 =	sshll.u32 s1, $0x11  }
0xc2: {  	s0 =	sor.u32 s1, s0  }
0xc3: {  	s0 =	sadd.s32 $0x8F2B, s0  }
0xc4: {  	[sflag:s0] =	ssyncadd.remote.s32 $0x1  }
0xc5: {  	_ =	sfence.sel $0xFFFF  }
0xc6: {  	[dreg:$0x0] =	wrdreg $0xFFFFFFFF;
	(pc) =	sbr.abs _section_cstart, $3  }
0xc7: {  	[dreg:$0x1] =	wrdreg $0xFFFFFFFF  }
0xc8: {  	_ =	task.clear_ibuf [dreg:s8], $0x2FFFF;
	_ =	strace $0x9FFFFFFF  }
0xc9: {  	(tm) =	ssettm $0x7FFFFFFF  }
tec
execute0_lowered:
.L_overlay_start_1:
0x0: {  	(tag) =	ssettag $0x1  }
0x1: {  	v0 =	vlaneseq.u32;
	v11 =	vimm.s32 $0xFEDCBA98  }
0x2: {  	s6 =	rddreg [dreg:$0x0];
	v13 =	vimm.s32 $0x76543210;
	vm0 =	vcmask $0x300;
	vm1 =	vcmask $0x704  }
0x3: {  	s0 =	rddreg [dreg:$0x1];
	vm2 =	vcmask $0xB08;
	vm3 =	vcmask $0xF0C;
	vm4 =	vcmask $0x1310  }
0x4: {  	s2 =	rddreg [dreg:$0x2];
	vm5 =	vcmask $0x1714;
	vm6 =	vcmask $0x1B18;
	vm7 =	vcmask $0x1F1C  }
0x5: {  	s3 =	simm.s32 $0x0;
	s4 =	srdreg.scid;
	s10 =	simm.s32 $0x1;
	vm8 =	vmmov $0xff;
	v1 =	vor.u32 $0x10, v0;
	v15 =	vunpack.c.l.s4.s8 v11  }
0x6: {  	s13 =	simm.s32 $0x8100;
	s11 =	simm.s32 $0x8280;
	s12 =	simm.s32 $0x8300;
	v2 =	vor.u32 $0x30, v0;
	v3 =	vor.u32 $0x20, v0;
	v16 =	vunpack.c.l.s4.s8 v13  }
0x7: {  	s14 =	simm.s32 $0x8380;
	s15 =	simm.s32 $0x0;
	v4 =	vor.u32 $0x50, v0;
	v5 =	vor.u32 $0x40, v0;
	[smem:$0x7FF] =	sst s3;
	v17 =	vunpack.c.0.s8.s32 v15  }
0x8: {  	v6 =	vor.u32 $0x70, v0;
	v7 =	vor.u32 $0x60, v0;
	s7 =	sand.u32 $0x1, s4;
	s5 =	sadd.s32 $0xA00, s6;
	s4 =	stileid.u32;
	v16 =	vunpack.c.0.s8.s32 v16  }
0x9: {  	v8 =	vor.u32 $0x90, v0;
	v9 =	vor.u32 $0x80, v0;
	s6 =	sadd.s32 $0x80A00, s6;
	_ =	strace $0x80000047;
	s8 =	ssub.s32 $0x2, s7;
	v17 =	vand.u32 $0xF, v17  }
0xa: {  	v10 =	vor.u32 $0xB0, v0;
	s31 =	sshll.u32 s4, $0xA;
	s7 =	sshll.u32 s7, $0x9;
	s9 =	sshrl.u32 s8, $0x1;
	v16 =	vcombine.low v17, v16;
	v17 =	vmul.u32 $0xFFFFFFFF, v0  }
0xb: {  	v11 =	vor.u32 $0xA0, v0;
	v12 =	vor.u32 $0xD0, v0;
	v13 =	vor.u32 $0xC0, v0;
	[dreg:$0x4] =	wrdreg s13;
	s13 =	simm.s32 $0x8800;
	s8 =	ssub.s32 s8, s9  }
0xc: {  	v14 =	vor.u32 $0xF0, v0;
	v15 =	vor.u32 $0xE0, v0;
	s7 =	sor.u32 s7, s31;
	s9 =	simm.s32 $0x8000;
	s8 =	smax.u32 s8, $0x1;
	v17 =	vadd.s32 $0xF, v17  }
.LBB2_1:
0xd: {  	[tilespmem:s9], [sflag:$0x1] =	stream.linear.gather [hbm4b:s0+s3], $0x100, $0x38;
	[tilespmem:$0x8C80] =	vst v63  }
0xe: {  	_ =	swait.ge [sflag:s10], $0x100  }
0xf: {  	[sflag:s10] =	ssyncset.done $0x0  }
0x10: {  	s16 =	simm.s32 $0x0;
	[sflag:s10] =	ssyncadd.s32 $0xFFFFFF00  }
.LBB2_2:
0x11: {  	s17 =	sshll.u32 s16, $0x7  }
0x12: {  	s17 =	sadd.s32 s7, s17  }
0x13: {  	s18 =	sshll.u32 s17, $0x5  }
0x14: {  	s19 =	sadd.s32 s5, s18;
	s18 =	simm.s32 $0x0  }
0x15: {  	[tilespmem:s18], [sflag:$0x1] =	stream.linear.gather [hbm4b:s19+s18], $0x8000, $0x38;
	[tilespmem:$0x8C80] =	vst v63  }
0x16: {  	_ =	swait.ge [sflag:s10], $0x8000  }
0x17: {  	[sflag:s10] =	ssyncset.done $0x0  }
0x18: {  	s19 =	simm.s32 $0x80;
	[sflag:s10] =	ssyncadd.s32 $0xFFFF8000  }
.LBB2_3:
0x19: {  	v18 =	vld [tilespmem:s19+$0xFFFFFF80];
	_ =	sdelay $0x4  }
0x1a: {  	v18 =	vsub.f32 $0.0e+00, v18;
	_ =	sdelay $0x1  }
0x1b: {  	v18 =	vmul.f32 $1.442695020e+00, v18;
	_ =	sdelay $0x1  }
0x1c: {  	(erf) = vpow2.f32 v18;
	_ =	sdelay $0x3  }
0x1d: {  	v18 =	vld [tilespmem:s19+$0xFFFFFF90];
	_ =	sdelay $0x4  }
0x1e: {  	v18 =	vsub.f32 $0.0e+00, v18;
	v19 =	vpop (erf)  }
0x1f: {  	v19 =	vadd.f32 $1.000000000e+00, v19  }
0x20: {  	v18 =	vmul.f32 $1.442695020e+00, v18  }
0x21: {  	(erf) = vrcp.f32 v19  }
0x22: {  	(erf) = vpow2.f32 v18;
	_ =	sdelay $0x7  }
0x23: {  	v18 =	vpop (erf)  }
0x24: {  	v19 =	vpop (erf)  }
0x25: {  	v19 =	vadd.f32 $1.000000000e+00, v19;
	_ =	sdelay $0x1  }
0x26: {  	(erf) = vrcp.f32 v19;
	_ =	sdelay $0x3  }
0x27: {  	v20 =	vld [tilespmem:$0x8010]  }
0x28: {  	v19 =	vld [tilespmem:$0x8000];
	_ =	sdelay $0x3  }
0x29: {  	v21 =	vpop (erf)  }
0x2a: {  	v19 =	vadd.f32 v18, v19;
	v20 =	vadd.f32 v21, v20;
	_ =	sdelay $0x1  }
0x2b: {  	vm9 =	vge.f32 v19, v20  }
0x2c: {  	v22 =	vsel vm9, v19, v20;
	v23 =	vsel vm9, v0, v1  }
0x2d: {  	(xrf1) =	vsort.dscd.msk.f32 $0xffff, v22, v23;
	_ =	sdelay $0xb  }
0x2e: {  	[tilespmem:$0x8100] =	vst v18  }
0x2f: {  	[tilespmem:$0x8110] =	vst v21;
	v33 =	vsel vm9, v20, v19  }
0x30: {  	[tilespmem:$0x8300] =	vst v33;
	v18, v32, _ =	vpop (xrf1)  }
0x31: {  	[tilespmem:$0x8200] =	vst v18  }
0x32: {  	[tilespmem:$0x8280] =	vst v32  }
0x33: {  	v21 =	vld [tilespmem:s19+$0xFFFFFFA0];
	_ =	sdelay $0x4  }
0x34: {  	v21 =	vsub.f32 $0.0e+00, v21;
	_ =	sdelay $0x1  }
0x35: {  	v21 =	vmul.f32 $1.442695020e+00, v21;
	_ =	sdelay $0x1  }
0x36: {  	(erf) = vpow2.f32 v21;
	_ =	sdelay $0x3  }
0x37: {  	v34 =	vld [tilespmem:s19+$0xFFFFFFB0];
	_ =	sdelay $0x4  }
0x38: {  	v21 =	vsub.f32 $0.0e+00, v34;
	v35 =	vpop (erf)  }
0x39: {  	v22 =	vadd.f32 $1.000000000e+00, v35  }
0x3a: {  	v21 =	vmul.f32 $1.442695020e+00, v21  }
0x3b: {  	(erf) = vrcp.f32 v22  }
0x3c: {  	(erf) = vpow2.f32 v21;
	_ =	sdelay $0x7  }
0x3d: {  	v36 =	vpop (erf)  }
0x3e: {  	v37 =	vpop (erf)  }
0x3f: {  	v22 =	vadd.f32 $1.000000000e+00, v37;
	_ =	sdelay $0x1  }
0x40: {  	(erf) = vrcp.f32 v22;
	_ =	sdelay $0x3  }
0x41: {  	v38 =	vld [tilespmem:$0x8020]  }
0x42: {  	v39 =	vld [tilespmem:$0x8030];
	_ =	sdelay $0x3  }
0x43: {  	v24 =	vpop (erf)  }
0x44: {  	v22 =	vadd.f32 v36, v38;
	v23 =	vadd.f32 v24, v39;
	_ =	sdelay $0x1  }
0x45: {  	vm9 =	vge.f32 v22, v23  }
0x46: {  	v25 =	vsel vm9, v22, v23;
	v26 =	vsel vm9, v3, v2  }
0x47: {  	(xrf1) =	vsort.dscd.msk.f32 $0xffff, v25, v26;
	_ =	sdelay $0xb  }
0x48: {  	[tilespmem:$0x8120] =	vst v36  }
0x49: {  	[tilespmem:$0x8130] =	vst v24;
	v41 =	vsel vm9, v23, v22  }
0x4a: {  	[tilespmem:$0x8310] =	vst v41;
	v21, v40, _ =	vpop (xrf1)  }
0x4b: {  	[tilespmem:$0x8210] =	vst v21  }
0x4c: {  	[tilespmem:$0x8290] =	vst v40  }
0x4d: {  	v24 =	vld [tilespmem:s19+$0xFFFFFFC0];
	_ =	sdelay $0x4  }
0x4e: {  	v24 =	vsub.f32 $0.0e+00, v24;
	_ =	sdelay $0x1  }
0x4f: {  	v24 =	vmul.f32 $1.442695020e+00, v24;
	_ =	sdelay $0x1  }
0x50: {  	(erf) = vpow2.f32 v24;
	_ =	sdelay $0x3  }
0x51: {  	v42 =	vld [tilespmem:s19+$0xFFFFFFD0];
	_ =	sdelay $0x4  }
0x52: {  	v24 =	vsub.f32 $0.0e+00, v42;
	v43 =	vpop (erf)  }
0x53: {  	v25 =	vadd.f32 $1.000000000e+00, v43  }
0x54: {  	v24 =	vmul.f32 $1.442695020e+00, v24  }
0x55: {  	(erf) = vrcp.f32 v25  }
0x56: {  	(erf) = vpow2.f32 v24;
	_ =	sdelay $0x7  }
0x57: {  	v44 =	vpop (erf)  }
0x58: {  	v45 =	vpop (erf)  }
0x59: {  	v25 =	vadd.f32 $1.000000000e+00, v45;
	_ =	sdelay $0x1  }
0x5a: {  	(erf) = vrcp.f32 v25;
	_ =	sdelay $0x3  }
0x5b: {  	v46 =	vld [tilespmem:$0x8040]  }
0x5c: {  	v47 =	vld [tilespmem:$0x8050];
	_ =	sdelay $0x3  }
0x5d: {  	v27 =	vpop (erf)  }
0x5e: {  	v25 =	vadd.f32 v44, v46;
	v26 =	vadd.f32 v27, v47;
	_ =	sdelay $0x1  }
0x5f: {  	vm9 =	vge.f32 v25, v26  }
0x60: {  	v28 =	vsel vm9, v25, v26;
	v29 =	vsel vm9, v5, v4  }
0x61: {  	(xrf1) =	vsort.dscd.msk.f32 $0xffff, v28, v29;
	_ =	sdelay $0xb  }
0x62: {  	[tilespmem:$0x8140] =	vst v44  }
0x63: {  	[tilespmem:$0x8150] =	vst v27;
	v49 =	vsel vm9, v26, v25  }
0x64: {  	[tilespmem:$0x8320] =	vst v49;
	v24, v48, _ =	vpop (xrf1)  }
0x65: {  	[tilespmem:$0x8220] =	vst v24  }
0x66: {  	[tilespmem:$0x82A0] =	vst v48  }
0x67: {  	v27 =	vld [tilespmem:s19+$0xFFFFFFE0];
	_ =	sdelay $0x4  }
0x68: {  	v27 =	vsub.f32 $0.0e+00, v27;
	_ =	sdelay $0x1  }
0x69: {  	v27 =	vmul.f32 $1.442695020e+00, v27;
	_ =	sdelay $0x1  }
0x6a: {  	(erf) = vpow2.f32 v27;
	_ =	sdelay $0x3  }
0x6b: {  	v50 =	vld [tilespmem:s19+$0xFFFFFFF0];
	_ =	sdelay $0x4  }
0x6c: {  	v27 =	vsub.f32 $0.0e+00, v50;
	v51 =	vpop (erf)  }
0x6d: {  	v28 =	vadd.f32 $1.000000000e+00, v51  }
0x6e: {  	v27 =	vmul.f32 $1.442695020e+00, v27  }
0x6f: {  	(erf) = vrcp.f32 v28  }
0x70: {  	(erf) = vpow2.f32 v27;
	_ =	sdelay $0x7  }
0x71: {  	v52 =	vpop (erf)  }
0x72: {  	v53 =	vpop (erf)  }
0x73: {  	v28 =	vadd.f32 $1.000000000e+00, v53;
	_ =	sdelay $0x1  }
0x74: {  	(erf) = vrcp.f32 v28;
	_ =	sdelay $0x3  }
0x75: {  	v54 =	vld [tilespmem:$0x8060]  }
0x76: {  	v55 =	vld [tilespmem:$0x8070];
	_ =	sdelay $0x3  }
0x77: {  	v30 =	vpop (erf)  }
0x78: {  	v28 =	vadd.f32 v52, v54;
	v29 =	vadd.f32 v30, v55;
	_ =	sdelay $0x1  }
0x79: {  	vm9 =	vge.f32 v28, v29  }
0x7a: {  	v31 =	vsel vm9, v28, v29;
	v32 =	vsel vm9, v7, v6  }
0x7b: {  	(xrf1) =	vsort.dscd.msk.f32 $0xffff, v31, v32;
	_ =	sdelay $0xb  }
0x7c: {  	[tilespmem:$0x8160] =	vst v52  }
0x7d: {  	[tilespmem:$0x8170] =	vst v30;
	v57 =	vsel vm9, v29, v28  }
0x7e: {  	[tilespmem:$0x8330] =	vst v57;
	v27, v56, _ =	vpop (xrf1)  }
0x7f: {  	[tilespmem:$0x8230] =	vst v27  }
0x80: {  	[tilespmem:$0x82B0] =	vst v56  }
0x81: {  	v30 =	vld [tilespmem:s19+$0x0];
	_ =	sdelay $0x4  }
0x82: {  	v30 =	vsub.f32 $0.0e+00, v30;
	_ =	sdelay $0x1  }
0x83: {  	v30 =	vmul.f32 $1.442695020e+00, v30;
	_ =	sdelay $0x1  }
0x84: {  	(erf) = vpow2.f32 v30;
	_ =	sdelay $0x3  }
0x85: {  	v58 =	vld [tilespmem:s19+$0x10];
	_ =	sdelay $0x4  }
0x86: {  	v30 =	vsub.f32 $0.0e+00, v58;
	v59 =	vpop (erf)  }
0x87: {  	v31 =	vadd.f32 $1.000000000e+00, v59  }
0x88: {  	v30 =	vmul.f32 $1.442695020e+00, v30  }
0x89: {  	(erf) = vrcp.f32 v31  }
0x8a: {  	(erf) = vpow2.f32 v30;
	_ =	sdelay $0x7  }
0x8b: {  	v60 =	vpop (erf)  }
0x8c: {  	v61 =	vpop (erf)  }
0x8d: {  	v31 =	vadd.f32 $1.000000000e+00, v61;
	_ =	sdelay $0x1  }
0x8e: {  	(erf) = vrcp.f32 v31;
	_ =	sdelay $0x3  }
0x8f: {  	v62 =	vld [tilespmem:$0x8080]  }
0x90: {  	v63 =	vld [tilespmem:$0x8090];
	_ =	sdelay $0x3  }
0x91: {  	v33 =	vpop (erf)  }
0x92: {  	v31 =	vadd.f32 v60, v62;
	v32 =	vadd.f32 v33, v63;
	_ =	sdelay $0x1  }
0x93: {  	vm9 =	vge.f32 v31, v32  }
0x94: {  	v34 =	vsel vm9, v31, v32;
	v35 =	vsel vm9, v9, v8  }
0x95: {  	(xrf1) =	vsort.dscd.msk.f32 $0xffff, v34, v35;
	_ =	sdelay $0xb  }
0x96: {  	[tilespmem:$0x8180] =	vst v60  }
0x97: {  	[tilespmem:$0x8190] =	vst v33;
	v37 =	vsel vm9, v32, v31  }
0x98: {  	[tilespmem:$0x8340] =	vst v37;
	v30, v36, _ =	vpop (xrf1)  }
0x99: {  	[tilespmem:$0x8240] =	vst v30  }
0x9a: {  	[tilespmem:$0x82C0] =	vst v36  }
0x9b: {  	v33 =	vld [tilespmem:s19+$0x20];
	_ =	sdelay $0x4  }
0x9c: {  	v33 =	vsub.f32 $0.0e+00, v33;
	_ =	sdelay $0x1  }
0x9d: {  	v33 =	vmul.f32 $1.442695020e+00, v33;
	_ =	sdelay $0x1  }
0x9e: {  	(erf) = vpow2.f32 v33;
	_ =	sdelay $0x3  }
0x9f: {  	v38 =	vld [tilespmem:s19+$0x30];
	_ =	sdelay $0x4  }
0xa0: {  	v33 =	vsub.f32 $0.0e+00, v38;
	v39 =	vpop (erf)  }
0xa1: {  	v34 =	vadd.f32 $1.000000000e+00, v39  }
0xa2: {  	v33 =	vmul.f32 $1.442695020e+00, v33  }
0xa3: {  	(erf) = vrcp.f32 v34  }
0xa4: {  	(erf) = vpow2.f32 v33;
	_ =	sdelay $0x7  }
0xa5: {  	v40 =	vpop (erf)  }
0xa6: {  	v41 =	vpop (erf)  }
0xa7: {  	v34 =	vadd.f32 $1.000000000e+00, v41;
	_ =	sdelay $0x1  }
0xa8: {  	(erf) = vrcp.f32 v34;
	_ =	sdelay $0x3  }
0xa9: {  	v42 =	vld [tilespmem:$0x80A0]  }
0xaa: {  	v43 =	vld [tilespmem:$0x80B0];
	_ =	sdelay $0x3  }
0xab: {  	v36 =	vpop (erf)  }
0xac: {  	v34 =	vadd.f32 v40, v42;
	v35 =	vadd.f32 v36, v43;
	_ =	sdelay $0x1  }
0xad: {  	vm9 =	vge.f32 v34, v35  }
0xae: {  	v37 =	vsel vm9, v34, v35;
	v38 =	vsel vm9, v11, v10  }
0xaf: {  	(xrf1) =	vsort.dscd.msk.f32 $0xffff, v37, v38;
	_ =	sdelay $0xb  }
0xb0: {  	[tilespmem:$0x81A0] =	vst v40  }
0xb1: {  	[tilespmem:$0x81B0] =	vst v36;
	v45 =	vsel vm9, v35, v34  }
0xb2: {  	[tilespmem:$0x8350] =	vst v45;
	v33, v44, _ =	vpop (xrf1)  }
0xb3: {  	[tilespmem:$0x8250] =	vst v33  }
0xb4: {  	[tilespmem:$0x82D0] =	vst v44  }
0xb5: {  	v36 =	vld [tilespmem:s19+$0x40];
	_ =	sdelay $0x4  }
0xb6: {  	v36 =	vsub.f32 $0.0e+00, v36;
	_ =	sdelay $0x1  }
0xb7: {  	v36 =	vmul.f32 $1.442695020e+00, v36;
	_ =	sdelay $0x1  }
0xb8: {  	(erf) = vpow2.f32 v36;
	_ =	sdelay $0x3  }
0xb9: {  	v46 =	vld [tilespmem:s19+$0x50];
	_ =	sdelay $0x4  }
0xba: {  	v36 =	vsub.f32 $0.0e+00, v46;
	v47 =	vpop (erf)  }
0xbb: {  	v37 =	vadd.f32 $1.000000000e+00, v47  }
0xbc: {  	v36 =	vmul.f32 $1.442695020e+00, v36  }
0xbd: {  	(erf) = vrcp.f32 v37  }
0xbe: {  	(erf) = vpow2.f32 v36;
	_ =	sdelay $0x7  }
0xbf: {  	v48 =	vpop (erf)  }
0xc0: {  	v49 =	vpop (erf)  }
0xc1: {  	v37 =	vadd.f32 $1.000000000e+00, v49;
	_ =	sdelay $0x1  }
0xc2: {  	(erf) = vrcp.f32 v37;
	_ =	sdelay $0x3  }
0xc3: {  	v50 =	vld [tilespmem:$0x80C0]  }
0xc4: {  	v51 =	vld [tilespmem:$0x80D0];
	_ =	sdelay $0x3  }
0xc5: {  	v39 =	vpop (erf)  }
0xc6: {  	v37 =	vadd.f32 v48, v50;
	v38 =	vadd.f32 v39, v51;
	_ =	sdelay $0x1  }
0xc7: {  	vm9 =	vge.f32 v37, v38  }
0xc8: {  	v40 =	vsel vm9, v37, v38;
	v41 =	vsel vm9, v13, v12  }
0xc9: {  	(xrf1) =	vsort.dscd.msk.f32 $0xffff, v40, v41;
	_ =	sdelay $0xb  }
0xca: {  	[tilespmem:$0x81C0] =	vst v48  }
0xcb: {  	[tilespmem:$0x81D0] =	vst v39;
	v54 =	vsel vm9, v38, v37  }
0xcc: {  	[tilespmem:$0x8360] =	vst v54;
	v52, v53, _ =	vpop (xrf1)  }
0xcd: {  	[tilespmem:$0x8260] =	vst v52  }
0xce: {  	[tilespmem:$0x82E0] =	vst v53  }
0xcf: {  	v39 =	vld [tilespmem:s19+$0x60];
	_ =	sdelay $0x4  }
0xd0: {  	v39 =	vsub.f32 $0.0e+00, v39;
	_ =	sdelay $0x1  }
0xd1: {  	v39 =	vmul.f32 $1.442695020e+00, v39;
	_ =	sdelay $0x1  }
0xd2: {  	(erf) = vpow2.f32 v39;
	_ =	sdelay $0x3  }
0xd3: {  	v55 =	vld [tilespmem:s19+$0x70];
	_ =	sdelay $0x4  }
0xd4: {  	v39 =	vsub.f32 $0.0e+00, v55;
	v56 =	vpop (erf)  }
0xd5: {  	v40 =	vadd.f32 $1.000000000e+00, v56  }
0xd6: {  	v39 =	vmul.f32 $1.442695020e+00, v39  }
0xd7: {  	(erf) = vrcp.f32 v40  }
0xd8: {  	(erf) = vpow2.f32 v39;
	_ =	sdelay $0x7  }
0xd9: {  	v19 =	vadd.f32 v20, v19;
	v57 =	vpop (erf)  }
0xda: {  	v58 =	vpop (erf)  }
0xdb: {  	(xrf0) =	vmax.scan.msk.f32 $0xffff, v19;
	v19 =	vadd.f32 $1.000000000e+00, v58;
	_ =	sdelay $0x1  }
0xdc: {  	v59 =	vadd.f32 v23, v22;
	(erf) = vrcp.f32 v19;
	_ =	sdelay $0x1  }
0xdd: {  	(xrf0) =	vmax.scan.msk.f32 $0xffff, v59  }
0xde: {  	v19 =	vadd.f32 v26, v25  }
0xdf: {  	v61 =	vld [tilespmem:$0x80E0];
	v60, _, _ =	vpop (xrf0)  }
0xe0: {  	(v2sf) =	vpush v60, $0xF;
	(xrf0) =	vmax.scan.msk.f32 $0xffff, v19;
	v19 =	vld [tilespmem:$0x80F0]  }
0xe1: {  	(v2sf) =	vpush v18, $0x0  }
0xe2: {  	(v2sf) =	vpush v18, $0x1;
	v18 =	vadd.f32 v29, v28  }
0xe3: {  	v62, _, _ =	vpop (xrf0)  }
0xe4: {  	(v2sf) =	vpush v62, $0xF;
	v22 =	vadd.f32 v57, v61;
	(xrf0) =	vmax.scan.msk.f32 $0xffff, v18;
	v63 =	vpop (erf)  }
0xe5: {  	v18 =	vadd.f32 v32, v31;
	v19 =	vadd.f32 v63, v19  }
0xe6: {  	(v2sf) =	vpush v21, $0x0  }
0xe7: {  	(v2sf) =	vpush v21, $0x1;
	v25, _, _ =	vpop (xrf0);
	(xrf0) =	vmax.scan.msk.f32 $0xffff, v18;
	v18 =	vadd.f32 v35, v34;
	vm9 =	vge.f32 v22, v19  }
0xe8: {  	(v2sf) =	vpush v25, $0xF;
	v26 =	vsel vm9, v22, v19;
	v28 =	vsel vm9, v15, v14  }
0xe9: {  	(v2sf) =	vpush v24, $0x0;
	(xrf1) =	vsort.dscd.msk.f32 $0xffff, v26, v28  }
0xea: {  	v29, _, _ =	vpop (xrf0);
	(xrf0) =	vmax.scan.msk.f32 $0xffff, v18;
	(v2sf) =	vpush v24, $0x1  }
0xeb: {  	v18 =	vadd.f32 v38, v37;
	(v2sf) =	vpush v29, $0xF  }
0xec: {  	(v2sf) =	vpush v27, $0x0  }
0xed: {  	(v2sf) =	vpush v27, $0x1;
	v31, _, _ =	vpop (xrf0);
	(xrf0) =	vmax.scan.msk.f32 $0xffff, v18  }
0xee: {  	v18 =	vadd.f32 v19, v22;
	(v2sf) =	vpush v31, $0xF  }
0xef: {  	(v2sf) =	vpush v30, $0x0  }
0xf0: {  	v32, _, _ =	vpop (xrf0);
	(xrf0) =	vmax.scan.msk.f32 $0xffff, v18;
	(v2sf) =	vpush v30, $0x1  }
0xf1: {  	s20 =	spop (v2sf);
	(v2sf) =	vpush v32, $0xF  }
0xf2: {  	s21 =	spop (v2sf);
	(v2sf) =	vpush v33, $0x0  }
0xf3: {  	s22 =	spop (v2sf);
	v18, _, _ =	vpop (xrf0);
	(v2sf) =	vpush v33, $0x1  }
0xf4: {  	s23 =	spop (v2sf);
	(v2sf) =	vpush v18, $0xF  }
0xf5: {  	s24 =	spop (v2sf);
	(v2sf) =	vpush v52, $0x0  }
0xf6: {  	s25 =	spop (v2sf);
	v18, _, _ =	vpop (xrf0);
	(v2sf) =	vpush v52, $0x1  }
0xf7: {  	s26 =	spop (v2sf);
	(v2sf) =	vpush v18, $0xF;
	v34, v23, _ =	vpop (xrf1)  }
0xf8: {  	s28 =	spop (v2sf);
	(v2sf) =	vpush v34, $0x0  }
0xf9: {  	s29 =	spop (v2sf);
	(v2sf) =	vpush v34, $0x1  }
0xfa: {  	s30 =	spop (v2sf)  }
0xfb: {  	s31 =	spop (v2sf)  }
0xfc: {  	s21 =	sadd.f32 s22, s21;
	s1 =	spop (v2sf)  }
0xfd: {  	s22 =	spop (v2sf)  }
0xfe: {  	s20 =	smax.f32 s21, s20;
	s21 =	spop (v2sf)  }
0xff: {  	s24 =	sadd.f32 s25, s24;
	s25 =	spop (v2sf)  }
0x100: {  	s28 =	sadd.f32 s29, s28;
	s29 =	spop (v2sf)  }
0x101: {  	s23 =	smax.f32 s24, s23;
	s24 =	spop (v2sf)  }
0x102: {  	s26 =	smax.f32 s28, s26;
	s28 =	spop (v2sf)  }
0x103: {  	s1 =	sadd.f32 s1, s31;
	s31 =	spop (v2sf)  }
0x104: {  	v18 =	vmov s20;
	s21 =	sadd.f32 s25, s21;
	s20 =	spop (v2sf)  }
0x105: {  	v18 =	vnsel vm0, $0xFF800000, v18;
	s1 =	smax.f32 s1, s30;
	s25 =	spop (v2sf)  }
0x106: {  	v18 =	vsel vm1, s23, v18;
	s21 =	smax.f32 s21, s22;
	s22 =	spop (v2sf)  }
0x107: {  	v18 =	vsel vm2, s26, v18;
	s24 =	sadd.f32 s28, s24;
	s30 =	spop (v2sf)  }
0x108: {  	v18 =	vsel vm3, s1, v18;
	s20 =	sadd.f32 s25, s20;
	s28 =	spop (v2sf)  }
0x109: {  	v18 =	vsel vm4, s21, v18;
	s29 =	smax.f32 s24, s29;
	s30 =	sadd.f32 s28, s30  }
0x10a: {  	v18 =	vsel vm5, s29, v18;
	s20 =	smax.f32 s20, s31  }
0x10b: {  	v18 =	vsel vm6, s20, v18;
	s23 =	smax.f32 s30, s22  }
0x10c: {  	v18 =	vsel vm7, s23, v18  }
0x10d: {  	(xrf1) =	vsort.dscd.msk.f32 $0xffff, v18, v0;
	_ =	sdelay $0xd  }
0x10e: {  	_, v18, _ =	vpop (xrf1)  }
0x10f: {  	v18 =	vshll.u32 v18, $0x4  }
0x110: {  	(v2sf) =	vpush v18, $0x0  }
0x111: {  	(v2sf) =	vpush v18, $0x1  }
0x112: {  	(v2sf) =	vpush v18, $0x2  }
0x113: {  	(v2sf) =	vpush v18, $0x3;
	_ =	sdelay $0x6  }
0x114: {  	v35 =	vbroadcast v18, $0x0  }
0x115: {  	v37 =	vbroadcast v18, $0x1  }
0x116: {  	[tilespmem:$0x81E0] =	vst v57;
	v36 =	vor.u32 v16, v35  }
0x117: {  	[tilespmem:$0x81F0] =	vst v63;
	v19 =	vsel vm9, v19, v22;
	v38 =	vor.u32 v16, v37  }
0x118: {  	[tilespmem:$0x8370] =	vst v19  }
0x119: {  	[tilespmem:$0x8270] =	vst v34;
	v18 =	vbroadcast v18, $0x2;
	s24 =	spop (v2sf)  }
0x11a: {  	[tilespmem:$0x82F0] =	vst v23;
	s25 =	spop (v2sf)  }
0x11b: {  	v39 =	vor.u32 v16, v18;
	v19 =	vld.idx.msk [tilespmem:v36+s11+$0x0], $0xffff;
	s26 =	spop (v2sf)  }
0x11c: {  	v21 =	vld.idx.msk [tilespmem:v38+s11+$0x0], $0xffff;
	s28 =	spop (v2sf)  }
0x11d: {  	v40 =	vor.u32 s28, v16;
	_ =	sdelay $0x2  }
0x11e: {  	v22 =	vld.idx.msk [tilespmem:v39+s11+$0x0], $0xffff;
	v25 =	vand.u32 $0xF, v19  }
0x11f: {  	v42 =	vand.u32 $0xF, v21;
	v24 =	vor.u32 v25, v35;
	v41 =	vld [tilespmem:s24+$0x8200]  }
0x120: {  	v20 =	vor.u32 v42, v37;
	v23 =	vld.idx.msk [tilespmem:v40+s11+$0x0], $0xffff  }
0x121: {  	v43 =	vld [tilespmem:s24+$0x8280]  }
0x122: {  	v45 =	vld [tilespmem:s25+$0x8200]  }
0x123: {  	v46 =	vld [tilespmem:s25+$0x8280]  }
0x124: {  	v44 =	vand.u32 $0xF, v22;
	v24 =	vld.idx.msk [tilespmem:v24+s12+$0x0], $0xffff  }
0x125: {  	v18 =	vor.u32 v44, v18;
	v20 =	vld.idx.msk [tilespmem:v20+s12+$0x0], $0xffff;
	v47 =	vand.u32 $0xF, v23  }
0x126: {  	v48 =	vld [tilespmem:s26+$0x8200];
	v29 =	vor.u32 s28, v47  }
0x127: {  	v49 =	vld [tilespmem:s26+$0x8280]  }
0x128: {  	v50 =	vld [tilespmem:s28+$0x8200]  }
0x129: {  	v51 =	vld [tilespmem:s28+$0x8280]  }
0x12a: {  	v18 =	vld.idx.msk [tilespmem:v18+s12+$0x0], $0xffff  }
0x12b: {  	v29 =	vld.idx.msk [tilespmem:v29+s12+$0x0], $0xffff  }
0x12c: {  	v19 =	vxor.u32 $0x10, v19  }
0x12d: {  	v21 =	vxor.u32 $0x10, v21;
	v19 =	vsel vm8, v43, v19;
	v24 =	vsel vm8, v41, v24  }
0x12e: {  	v53 =	vxor.u32 $0x10, v22;
	v52 =	vsel vm8, v46, v21;
	(xrf1) =	vsort.dscd.msk.f32 $0xffff, v24, v19;
	v19 =	vsel vm8, v45, v20  }
0x12f: {  	(xrf1) =	vsort.dscd.msk.f32 $0xffff, v19, v52;
	v19 =	vsel vm8, v49, v53;
	v18 =	vsel vm8, v48, v18;
	v54 =	vxor.u32 $0x10, v23  }
0x130: {  	(xrf1) =	vsort.dscd.msk.f32 $0xffff, v18, v19;
	v19 =	vsel vm8, v51, v54;
	v18 =	vsel vm8, v50, v29  }
0x131: {  	(xrf1) =	vsort.dscd.msk.f32 $0xffff, v18, v19;
	_ =	sdelay $0xa  }
0x132: {  	v18, v19, _ =	vpop (xrf1)  }
0x133: {  	v56, v55, _ =	vpop (xrf1)  }
0x134: {  	v57, v58, _ =	vpop (xrf1)  }
0x135: {  	v20 =	vperm.xlane v56, v17;
	v59, v25, _ =	vpop (xrf1)  }
0x136: {  	v21 =	vperm.xlane v55, v17;
	v24 =	vperm.xlane v59, v17  }
0x137: {  	vm9 =	vge.f32 v18, v20;
	v25 =	vperm.xlane v25, v17  }
0x138: {  	v18 =	vsel vm9, v18, v20;
	v19 =	vsel vm9, v19, v21;
	vm9 =	vge.f32 v57, v24  }
0x139: {  	(xrf1) =	vsort.dscd.msk.f32 $0xffff, v18, v19;
	v18 =	vsel vm9, v57, v24;
	v19 =	vsel vm9, v58, v25  }
0x13a: {  	(xrf1) =	vsort.dscd.msk.f32 $0xffff, v18, v19;
	_ =	sdelay $0xc  }
0x13b: {  	v18, v19, _ =	vpop (xrf1)  }
0x13c: {  	v60, v61, _ =	vpop (xrf1)  }
0x13d: {  	v20 =	vperm.xlane v60, v17  }
0x13e: {  	v21 =	vperm.xlane v61, v17  }
0x13f: {  	vm9 =	vge.f32 v18, v20  }
0x140: {  	v18 =	vsel vm9, v18, v20;
	v19 =	vsel vm9, v19, v21  }
0x141: {  	(xrf1) =	vsort.dscd.msk.f32 $0xffff, v18, v19;
	_ =	sdelay $0xd  }
0x142: {  	_, v18, _ =	vpop (xrf1);
	_ =	sdelay $0x2  }
0x143: {  	s29 =	rddreg [dreg:$0x4]  }
0x144: {  	v19 =	vld.idx.msk [tilespmem:v18+s29+$0x0], $0xffff;
	_ =	sdelay $0x4  }
0x145: {  	v62 =	vnsel vm8, $0x0, v19  }
0x146: {  	(xrf2) =	vadd.scan.msk.f32 $0xffff, v62;
	_ =	sdelay $0x9  }
0x147: {  	v20, _, _ =	vpop (xrf2)  }
0x148: {  	(v2sf) =	vpush v20, $0xF;
	_ =	sdelay $0xe  }
0x149: {  	s30 =	spop (v2sf)  }
0x14a: {  	s1 =	sadd.f32 $9.999999680e-21, s30;
	_ =	sdelay $0x1  }
0x14b: {  	v63 =	vmov s1  }
0x14c: {  	(erf) = vrcp.f32 v63;
	_ =	sdelay $0x7  }
0x14d: {  	v19 =	vmul.f32 $2.500000000e+00, v19  }
0x14e: {  	v20 =	vpop (erf)  }
0x14f: {  	v19 =	vmul.f32 v20, v19;
	_ =	sdelay $0x1  }
0x150: {  	v19 =	vnsel vm8, $0xBF800000, v19  }
0x151: {  	(xrf1) =	vsort.dscd.msk.f32 $0xffff, v19, v18;
	_ =	sdelay $0xa  }
0x152: {  	p0 =	sne.s32 s18, $0xFE0  }
.Ltmp0:
0x153: {  	_ = 	snop;
	(pc) =	sbr.rel @p0 .LBB2_3-.Ltmp0, $4  }
0x154: {  	_ = 	snop  }
0x155: {  	s31 =	sshra.s32 s18, $0x2;
	v18, v19, _ =	vpop (xrf1)  }
0x156: {  	[tilespmem:s31+$0x8800] =	vst.msk $0xff, v18  }
0x157: {  	s19 =	sadd.s32 $0x100, s19;
	s18 =	sadd.s32 $0x20, s18;
	[tilespmem:s31+$0x8380] =	vst.msk $0xff, v19  }
0x158: {  	s1 =	sadd.s32 s6, s17  }
0x159: {  	[hbm4b:s1+s3] =	stream.linear.scatter [tilespmem:s13], [sflag:$0x1], $0x400, $0x38;
	[tilespmem:$0x8C80] =	vst v63  }
0x15a: {  	s16 =	sadd.s32 $0x1, s16;
	_ =	swait.ge [sflag:s10], $0x400  }
0x15b: {  	p0 =	sne.s32 s16, $0x4;
	[sflag:s10] =	ssyncset.done $0x0  }
.Ltmp1:
0x15c: {  	s31 =	sadd.s32 s2, s17;
	[sflag:s10] =	ssyncadd.s32 $0xFFFFFC00;
	(pc) =	sbr.rel @p0 .LBB2_2-.Ltmp1, $4  }
0x15d: {  	[hbm4b:s31+s3] =	stream.linear.scatter [tilespmem:s14], [sflag:$0x1], $0x400, $0x38;
	[tilespmem:$0x8C80] =	vst v63  }
0x15e: {  	_ =	swait.ge [sflag:s10], $0x400  }
0x15f: {  	[sflag:s10] =	ssyncset.done $0x0  }
0x160: {  	[sflag:s10] =	ssyncadd.s32 $0xFFFFFC00  }
0x161: {  	s15 =	sadd.s32 $0x1, s15  }
0x162: {  	p0 =	sne.s32 s15, s8  }
.Ltmp2:
0x163: {  	_ = 	snop;
	(pc) =	sbr.rel @p0 .LBB2_1-.Ltmp2, $1  }
0x164: {  	_ =	sdelay $0x3  }
0x165: {  	_ =	sfence.sel $0x180000  }
0x166: {  	[bflag:$0x0] =	sbarrier.arrive $0xFFFF  }
0x167: {  	_ =	strace $0x90000047  }
0x168: {  	[bflag:$0x2] =	sbarrier.arrive $0xFFFF  }
0x169: {  	p0 =	sne.s32 s4, $0x0;
	s0 =	rddreg [dreg:$0x3]  }
0x16a: {  	s0 =	sadd.s32 @!p0 $0x100000, s0  }
0x16b: {  	[sflag:s0] =	ssyncadd.tile.s32 @!p0 $0x1;
	_ =	shalt  }
.Lfunc_end2:
_tile_overlayer_lowered:
.L_overlay_start_2:
0x16c: {  	(tag) =	ssettag $0x2  }
0x16d: {  	s0 =	rddreg [dreg:$0x0];
	s2 =	stileid.u32  }
0x16e: {  	s1 =	rddreg [dreg:$0x1];
	p0 =	sne.s32 s2, $0x0  }
0x16f: {  	s3 =	rddreg [dreg:$0x2];
	[bflag:$0x3] =	sbarrier.arrive $0xFFFF;
	s2 =	simm.s32 @!p0 $0x1C01  }
0x170: {  	[timem:s3], [sflag:s2] =	dma.local @!p0 [hbm:s0], s1  }
0x171: {  	s0 =	simm.s32 @!p0 $0x1  }
0x172: {  	_ =	swait.ge @!p0 [sflag:s0], s1  }
0x173: {  	s1 =	ssub.s32 @!p0 $0x0, s1;
	[sflag:s0] =	ssyncset.done @!p0 $0x0  }
0x174: {  	[sflag:s0] =	ssyncadd.s32 @!p0 s1  }
0x175: {  	[bflag:$0x3] =	sbarrier.arrive $0xFFFF  }
0x176: {  	_ =	shalt  }

</sc_bundles>
